<compile_context>
chip_gen: v7x
topology: tpu7x:2x2x1
jax: 0.10.2.dev20260603
libtpu: 0.0.44.dev20260713+nightly
codegen_flags: <defaults>
</compile_context>

<pallas_src>
import functools

import jax
import jax.numpy as jnp
import numpy as np
from jax import lax
from jax.experimental import pallas as pl
from jax.experimental.pallas import tpu as pltpu
from jax.experimental.pallas import tpu_sc as plsc

D_MODEL = 768
N_HEADS = 12
HEAD_DIM = 64
D_FF = 1536
N_EXP = 8
SEQ = 2048
SBLK = 256
NBLK = SEQ // SBLK
EPS = 1e-6
_SQRT2 = 1.4142135623730951

BLK = 256
N_ITEMS = SEQ * 2
P_MAX = 5888
NB_FFN = P_MAX // BLK
N_TILES = 32
IPT = N_ITEMS // N_TILES
TPT = SEQ // N_TILES


def _gelu(v):
    return 0.5 * v * (1.0 + jax.lax.erf(v / _SQRT2))


def _rms(v):
    return v * jax.lax.rsqrt(jnp.mean(v * v, axis=-1, keepdims=True) + EPS)


def _attn_body(x_ref, qW_ref, qWs_ref, kvW_ref, ct_ref, st_ref, ao_ref):
    xn = _rms(x_ref[...]).astype(jnp.bfloat16)
    dn = (((1,), (1,)), ((), ()))
    q = jax.lax.dot_general(xn, qW_ref[...], dn, preferred_element_type=jnp.float32)
    qs = jax.lax.dot_general(xn, qWs_ref[...], dn, preferred_element_type=jnp.float32)
    rq = q * ct_ref[...] + qs * st_ref[...]
    kv = jax.lax.dot_general(xn, kvW_ref[...], dn, preferred_element_type=jnp.float32)
    k_cat = jnp.concatenate(
        [kv[:, j * 128: j * 128 + 64] for j in range(N_HEADS)], axis=1)
    v_cat = jnp.concatenate(
        [kv[:, j * 128 + 64: j * 128 + 128] for j in range(N_HEADS)], axis=1)
    r768 = jax.lax.broadcasted_iota(jnp.int32, (D_MODEL, N_HEADS), 0)
    c12 = jax.lax.broadcasted_iota(jnp.int32, (D_MODEL, N_HEADS), 1)
    G = (r768 // HEAD_DIM == c12).astype(jnp.float32)
    r12 = jax.lax.broadcasted_iota(jnp.int32, (N_HEADS, D_MODEL), 0)
    c768 = jax.lax.broadcasted_iota(jnp.int32, (N_HEADS, D_MODEL), 1)
    E = (c768 // HEAD_DIM == r12).astype(jnp.float32)
    c64 = jax.lax.broadcasted_iota(jnp.int32, (D_MODEL, HEAD_DIM), 1)
    r768b = jax.lax.broadcasted_iota(jnp.int32, (D_MODEL, HEAD_DIM), 0)
    Hm = (r768b % HEAD_DIM == c64).astype(jnp.float32)
    q3 = rq.reshape(SBLK, N_HEADS, HEAD_DIM)
    k3 = k_cat.reshape(SBLK, N_HEADS, HEAD_DIM)
    v3 = v_cat.reshape(SBLK, N_HEADS, HEAD_DIM)
    att = jax.lax.dot_general(q3, k3, (((2,), (2,)), ((0,), (0,))),
                              preferred_element_type=jnp.float32) * 0.125
    att = att - jnp.max(att, axis=2, keepdims=True)
    p = jnp.exp(att)
    att = p / jnp.sum(p, axis=2, keepdims=True)
    ao = jax.lax.dot_general(att, v3, (((2,), (1,)), ((0,), (0,))),
                             preferred_element_type=jnp.float32)
    for i in range(N_HEADS):
        ao_ref[i] = ao[:, i, :]


def _oroute_body(ao_ref, x_ref, oW_ref, gW_ref, h_ref, hn_ref, route_ref):
    dn = (((1,), (1,)), ((), ()))
    h = jax.lax.dot_general(ao_ref[...].astype(jnp.bfloat16), oW_ref[...], dn,
                            preferred_element_type=jnp.float32) + x_ref[...]
    h_ref[...] = h
    hn = _rms(h)
    hn_ref[...] = hn
    gl = jax.lax.dot_general(hn, gW_ref[...], dn, preferred_element_type=jnp.float32)
    gl = gl - jnp.max(gl, axis=1, keepdims=True)
    pe = jnp.exp(gl)
    gw = pe / jnp.sum(pe, axis=1, keepdims=True)
    io = jax.lax.broadcasted_iota(jnp.int32, gw.shape, 1)
    m1 = jnp.max(gw, axis=1, keepdims=True)
    i1 = jnp.min(jnp.where(gw == m1, io, N_EXP), axis=1, keepdims=True)
    gm = jnp.where(io == i1, -jnp.inf, gw)
    m2 = jnp.max(gm, axis=1, keepdims=True)
    i2 = jnp.min(jnp.where((gw == m2) & (io != i1), io, N_EXP),
                 axis=1, keepdims=True)
    s12 = m1 + m2
    w1n = m1 / s12
    w2n = m2 / s12
    route_ref[...] = jnp.where(
        io == 0, i1.astype(jnp.float32),
        jnp.where(io == 1, i2.astype(jnp.float32),
                  jnp.where(io == 2, w1n, jnp.where(io == 3, w2n, 0.0))))


def _route_meta_body(route_ref, pp_ref, be_ref):
    r = route_ref[...]
    e1 = r[:, 0:1].astype(jnp.int32)
    e2 = r[:, 1:2].astype(jnp.int32)
    lane = jax.lax.broadcasted_iota(jnp.int32, (SEQ, N_EXP), 1)
    oh1 = (lane == e1).astype(jnp.int32)
    oh2 = (lane == e2).astype(jnp.int32)
    tot = oh1 + oh2
    C = tot
    k = 1
    while k < SEQ:
        C = C + jnp.concatenate(
            [jnp.zeros((k, N_EXP), jnp.int32), C[:SEQ - k, :]], axis=0)
        k *= 2
    Cx = C - tot
    counts = C[SEQ - 1:SEQ, :]
    padded = ((counts + BLK - 1) // BLK) * BLK
    b = padded
    k = 1
    while k < N_EXP:
        b = b + jnp.concatenate(
            [jnp.zeros((1, k), jnp.int32), b[:, :N_EXP - k]], axis=1)
        k *= 2
    base = b - padded
    pos0 = (jnp.sum(Cx * oh1, axis=1, keepdims=True)
            + jnp.sum(base * oh1, axis=1, keepdims=True))
    pos1 = (jnp.sum((Cx + oh1) * oh2, axis=1, keepdims=True)
            + jnp.sum(base * oh2, axis=1, keepdims=True))
    pp_ref[...] = jnp.where(lane == 0, pos0, jnp.where(lane == 1, pos1, 0))
    jj = jax.lax.broadcasted_iota(jnp.int32, (64, N_EXP), 0) * BLK
    be = jnp.sum((jj >= base).astype(jnp.int32), axis=1, keepdims=True) - 1
    nbu = jnp.sum(padded, axis=1, keepdims=True) // BLK
    be = jnp.where(jax.lax.broadcasted_iota(jnp.int32, (64, 1), 0) < nbu,
                   be, N_EXP)
    be_ref[...] = be + jnp.zeros((64, N_EXP), jnp.int32)


@functools.cache
def _make_sc_dispatch():
    mesh = plsc.VectorSubcoreMesh(core_axis_name="c", subcore_axis_name="s")

    @functools.partial(
        pl.kernel, mesh=mesh,
        out_type=jax.ShapeDtypeStruct((P_MAX, D_MODEL), jnp.float32),
        scratch_types=[
            pltpu.VMEM((TPT,), jnp.int32),
            pltpu.VMEM((TPT,), jnp.int32),
            pltpu.VMEM((TPT, D_MODEL), jnp.float32),
            pltpu.SemaphoreType.DMA,
            pltpu.SemaphoreType.DMA,
        ],
    )
    def _sc_dispatch(hn_hbm, p0_hbm, p1_hbm, disp_hbm, p0_v, p1_v, rows_v,
                     sem1, sem2):
        wid = lax.axis_index("s") * 2 + lax.axis_index("c")
        base = wid * TPT
        pltpu.sync_copy(hn_hbm.at[pl.ds(base, TPT)], rows_v)
        pltpu.sync_copy(p0_hbm.at[pl.ds(base, TPT)], p0_v)
        pltpu.sync_copy(p1_hbm.at[pl.ds(base, TPT)], p1_v)
        d1 = pltpu.async_copy(rows_v, disp_hbm.at[p0_v], sem1)
        d2 = pltpu.async_copy(rows_v, disp_hbm.at[p1_v], sem2)
        d1.wait()
        d2.wait()

    return _sc_dispatch


@functools.cache
def _make_sc_combine():
    mesh = plsc.VectorSubcoreMesh(core_axis_name="c", subcore_axis_name="s")

    @functools.partial(
        pl.kernel, mesh=mesh,
        out_type=[jax.ShapeDtypeStruct((SEQ, D_MODEL), jnp.float32),
                  jax.ShapeDtypeStruct((SEQ, D_MODEL), jnp.float32)],
        scratch_types=[
            pltpu.VMEM((TPT,), jnp.int32),
            pltpu.VMEM((TPT, D_MODEL), jnp.float32),
            pltpu.SemaphoreType.DMA,
        ],
    )
    def _sc_combine(y_hbm, p0_hbm, p1_hbm, y0_hbm, y1_hbm, idx_v, rows_v, sem):
        wid = lax.axis_index("s") * 2 + lax.axis_index("c")
        base = wid * TPT
        pltpu.sync_copy(p0_hbm.at[pl.ds(base, TPT)], idx_v)
        pltpu.async_copy(y_hbm.at[idx_v], rows_v, sem).wait()
        pltpu.sync_copy(rows_v, y0_hbm.at[pl.ds(base, TPT)])
        pltpu.sync_copy(p1_hbm.at[pl.ds(base, TPT)], idx_v)
        pltpu.async_copy(y_hbm.at[idx_v], rows_v, sem).wait()
        pltpu.sync_copy(rows_v, y1_hbm.at[pl.ds(base, TPT)])

    return _sc_combine


def _ffn_body(be_ref, disp_ref, w1_ref, w3_ref, w2_ref, y_ref):
    b = pl.program_id(0)
    be = be_ref[b]

    @pl.when(be < N_EXP)
    def _go():
        xb = disp_ref[...].astype(jnp.bfloat16)
        dn = (((1,), (1,)), ((), ()))
        g1 = jax.lax.dot_general(xb, w1_ref[0], dn,
                                 preferred_element_type=jnp.float32)
        g3 = jax.lax.dot_general(xb, w3_ref[0], dn,
                                 preferred_element_type=jnp.float32)
        hcur = (_gelu(g1) * g3).astype(jnp.bfloat16)
        y_ref[...] = jax.lax.dot_general(hcur, w2_ref[0], dn,
                                         preferred_element_type=jnp.float32)


def _final_body(hn_ref, h_ref, route_ref, y0_ref, y1_ref,
                sw1_ref, sw2_ref, sw3_ref, out_ref):
    hn = hn_ref[...].astype(jnp.bfloat16)
    dn = (((1,), (1,)), ((), ()))
    s1 = jax.lax.dot_general(hn, sw1_ref[...], dn, preferred_element_type=jnp.float32)
    s3 = jax.lax.dot_general(hn, sw3_ref[...], dn, preferred_element_type=jnp.float32)
    sh = (_gelu(s1) * s3).astype(jnp.bfloat16)
    shared = jax.lax.dot_general(sh, sw2_ref[...], dn,
                                 preferred_element_type=jnp.float32)
    route = route_ref[...]
    out_ref[...] = (h_ref[...] + shared
                    + route[:, 2:3] * y0_ref[...]
                    + route[:, 3:4] * y1_ref[...])


def _rope_tabs():
    theta = 1.0 / (10000.0 ** (np.arange(0, HEAD_DIM, 2).astype(np.float32)
                               / HEAD_DIM))
    pos = np.arange(SEQ).astype(np.float32)
    fr = np.outer(pos, theta)
    cos, sin = np.cos(fr), np.sin(fr)
    ct = np.zeros((SEQ, D_MODEL), np.float32)
    st = np.zeros((SEQ, D_MODEL), np.float32)
    for h in range(N_HEADS):
        ct[:, h * 64 + 0:h * 64 + 64:2] = cos
        ct[:, h * 64 + 1:h * 64 + 64:2] = cos
        st[:, h * 64 + 0:h * 64 + 64:2] = -sin
        st[:, h * 64 + 1:h * 64 + 64:2] = sin
    return jnp.asarray(ct), jnp.asarray(st)


_CT, _ST = None, None


def kernel(x, q_W, kv_W, o_W, gate_W, w1, w2, w3, sw1, sw2, sw3):
    global _CT, _ST
    if _CT is None:
        _CT, _ST = _rope_tabs()
    B, S, D = x.shape
    x2 = x.reshape(S, D)
    perm = np.arange(D_MODEL).reshape(-1, 2)[:, ::-1].reshape(-1)
    q_Ws = q_W[perm]

    ao3 = pl.pallas_call(
        _attn_body,
        grid=(NBLK,),
        in_specs=[
            pl.BlockSpec((SBLK, D), lambda b: (b, 0)),
            pl.BlockSpec((D, D), lambda b: (0, 0)),
            pl.BlockSpec((D, D), lambda b: (0, 0)),
            pl.BlockSpec((2 * D, D), lambda b: (0, 0)),
            pl.BlockSpec((SBLK, D), lambda b: (b, 0)),
            pl.BlockSpec((SBLK, D), lambda b: (b, 0)),
        ],
        out_specs=pl.BlockSpec((N_HEADS, SBLK, HEAD_DIM), lambda b: (0, b, 0)),
        out_shape=jax.ShapeDtypeStruct((N_HEADS, SEQ, HEAD_DIM), jnp.float32),
    )(x2, q_W.astype(jnp.bfloat16), q_Ws.astype(jnp.bfloat16),
      kv_W.astype(jnp.bfloat16), _CT, _ST)
    ao_scr = ao3.reshape(S, D)

    h, hn, route = pl.pallas_call(
        _oroute_body,
        grid=(NBLK,),
        in_specs=[
            pl.BlockSpec((SBLK, D), lambda b: (b, 0)),
            pl.BlockSpec((SBLK, D), lambda b: (b, 0)),
            pl.BlockSpec((D, D), lambda b: (0, 0)),
            pl.BlockSpec((N_EXP, D), lambda b: (0, 0)),
        ],
        out_specs=[
            pl.BlockSpec((SBLK, D), lambda b: (b, 0)),
            pl.BlockSpec((SBLK, D), lambda b: (b, 0)),
            pl.BlockSpec((SBLK, N_EXP), lambda b: (b, 0)),
        ],
        out_shape=[
            jax.ShapeDtypeStruct((SEQ, D), jnp.float32),
            jax.ShapeDtypeStruct((SEQ, D), jnp.float32),
            jax.ShapeDtypeStruct((SEQ, N_EXP), jnp.float32),
        ],
    )(ao_scr, x2, o_W.astype(jnp.bfloat16), gate_W)

    pp, beo = pl.pallas_call(
        _route_meta_body,
        in_specs=[pl.BlockSpec((SEQ, N_EXP), lambda: (0, 0))],
        out_specs=[pl.BlockSpec((SEQ, N_EXP), lambda: (0, 0)),
                   pl.BlockSpec((64, N_EXP), lambda: (0, 0))],
        out_shape=[jax.ShapeDtypeStruct((SEQ, N_EXP), jnp.int32),
                   jax.ShapeDtypeStruct((64, N_EXP), jnp.int32)],
    )(route)
    p0 = pp[:, 0]
    p1 = pp[:, 1]
    block_expert = beo[:NB_FFN, 0]

    disp = _make_sc_dispatch()(hn, p0, p1)

    grid_spec = pltpu.PrefetchScalarGridSpec(
        num_scalar_prefetch=1,
        grid=(NB_FFN,),
        in_specs=[
            pl.BlockSpec((BLK, D), lambda b, be: (b, 0)),
            pl.BlockSpec((1, D_FF, D), lambda b, be: (jnp.minimum(be[b], N_EXP - 1), 0, 0)),
            pl.BlockSpec((1, D_FF, D), lambda b, be: (jnp.minimum(be[b], N_EXP - 1), 0, 0)),
            pl.BlockSpec((1, D, D_FF), lambda b, be: (jnp.minimum(be[b], N_EXP - 1), 0, 0)),
        ],
        out_specs=pl.BlockSpec((BLK, D), lambda b, be: (b, 0)),
    )
    y = pl.pallas_call(
        _ffn_body,
        grid_spec=grid_spec,
        out_shape=jax.ShapeDtypeStruct((P_MAX, D), jnp.float32),
    )(block_expert, disp, w1, w3, w2)

    y0s, y1s = _make_sc_combine()(y, p0, p1)

    out = pl.pallas_call(
        _final_body,
        grid=(NBLK,),
        in_specs=[
            pl.BlockSpec((SBLK, D), lambda b: (b, 0)),
            pl.BlockSpec((SBLK, D), lambda b: (b, 0)),
            pl.BlockSpec((SBLK, N_EXP), lambda b: (b, 0)),
            pl.BlockSpec((SBLK, D), lambda b: (b, 0)),
            pl.BlockSpec((SBLK, D), lambda b: (b, 0)),
            pl.BlockSpec((D_FF, D), lambda b: (0, 0)),
            pl.BlockSpec((D, D_FF), lambda b: (0, 0)),
            pl.BlockSpec((D_FF, D), lambda b: (0, 0)),
        ],
        out_specs=pl.BlockSpec((SBLK, D), lambda b: (b, 0)),
        out_shape=jax.ShapeDtypeStruct((SEQ, D), jnp.float32),
    )(hn, h, route, y0s, y1s,
      sw1.astype(jnp.bfloat16), sw2.astype(jnp.bfloat16),
      sw3.astype(jnp.bfloat16))

    return out.reshape(B, S, D)

# --- scband reference (transcript-rebuilt; emitter-appended) ---
"""Pipeline reference for scband-deep-seek-block-3367254360091 (READ-ONLY COPY).

The authoritative reference and input builder live on the scoring server;
editing this copy changes nothing except your own understanding.
"""

import jax, jax.numpy as jnp
import numpy as np

D_MODEL = 768
N_HEADS = 12
HEAD_DIM = D_MODEL // N_HEADS  # 64
D_FF = 1536
N_EXP = 8
TOP_K = 2
MAX_SEQ = 2048
BATCH = 1
SEQ = 2048


def _rmsnorm(x, eps=1e-6):
    # RMSNorm with weight=ones (module instantiates a fresh RMSNorm in forward)
    return x / jnp.sqrt(jnp.mean(x * x, axis=-1, keepdims=True) + eps)


def _rope_tables(seq_len, head_dim):
    theta = 1.0 / (10000.0 ** (np.arange(0, head_dim, 2).astype(np.float32) / head_dim))
    pos = np.arange(seq_len).astype(np.float32)
    freqs = np.outer(pos, theta)
    return jnp.asarray(np.cos(freqs), dtype=jnp.float32), jnp.asarray(np.sin(freqs), dtype=jnp.float32)


def setup_inputs(seed: int = 0) -> dict:
    key = jax.random.key(seed)
    ks = jax.random.split(key, 12)
    s = 0.02
    inp = {}
    inp["x"] = jax.random.normal(ks[0], (BATCH, SEQ, D_MODEL), dtype=jnp.float32)
    inp["q_W"] = jax.random.normal(ks[1], (D_MODEL, D_MODEL), dtype=jnp.float32) * s
    inp["kv_W"] = jax.random.normal(ks[2], (2 * N_HEADS * HEAD_DIM, D_MODEL), dtype=jnp.float32) * s
    inp["o_W"] = jax.random.normal(ks[3], (D_MODEL, D_MODEL), dtype=jnp.float32) * s
    inp["gate_W"] = jax.random.normal(ks[4], (N_EXP, D_MODEL), dtype=jnp.float32) * s
    inp["w1"] = jax.random.normal(ks[5], (N_EXP, D_FF, D_MODEL), dtype=jnp.float32) * s
    inp["w2"] = jax.random.normal(ks[6], (N_EXP, D_MODEL, D_FF), dtype=jnp.float32) * s
    inp["w3"] = jax.random.normal(ks[7], (N_EXP, D_FF, D_MODEL), dtype=jnp.float32) * s
    inp["sw1"] = jax.random.normal(ks[8], (D_FF, D_MODEL), dtype=jnp.float32) * s
    inp["sw2"] = jax.random.normal(ks[9], (D_MODEL, D_FF), dtype=jnp.float32) * s
    inp["sw3"] = jax.random.normal(ks[10], (D_FF, D_MODEL), dtype=jnp.float32) * s
    return inp


def reference(x, q_W, kv_W, o_W, gate_W, w1, w2, w3, sw1, sw2, sw3):
    B, S, D = x.shape
    H, hd = N_HEADS, HEAD_DIM
    # ---- MLA (dropout is identity in eval mode) ----
    xn = _rmsnorm(x)
    q = (xn @ q_W.T).reshape(B, S, H, hd)
    kv = (xn @ kv_W.T).reshape(B, S, H, 2 * hd)
    k = kv[..., :hd]
    v = kv[..., hd:]
    cos, sin = _rope_tables(MAX_SEQ, hd)
    cos = cos[:S].reshape(1, S, 1, hd // 2)
    sin = sin[:S].reshape(1, S, 1, hd // 2)
    qr = q.reshape(B, S, H, hd // 2, 2)
    q0, q1 = qr[..., 0], qr[..., 1]
    r0 = q0 * cos - q1 * sin
    r1 = q0 * sin + q1 * cos
    q = jnp.stack([r0, r1], axis=-1).reshape(B, S, H, hd)
    # Faithful to torch code: matmul over the last two axes of (B,S,H,hd)
    # with k transposed on its last two axes -> per-position head-vs-head attention (B,S,H,H)
    attn = jnp.matmul(q, jnp.swapaxes(k, -1, -2)) / jnp.sqrt(jnp.float32(hd))
    attn = jax.nn.softmax(attn.astype(jnp.float32), axis=-1).astype(x.dtype)
    ao = jnp.matmul(attn, v)  # (B,S,H,hd)
    ao = jnp.transpose(ao, (0, 2, 1, 3)).reshape(B, S, D)
    h = ao @ o_W.T + x
    # ---- MoE ----
    hn = _rmsnorm(h)
    gate_logits = hn @ gate_W.T
    gate_weights = jax.nn.softmax(gate_logits, axis=-1)
    tv, ti = jax.lax.top_k(gate_weights, TOP_K)
    tv = tv / jnp.sum(tv, axis=-1, keepdims=True)
    onehot = jax.nn.one_hot(ti, N_EXP, dtype=hn.dtype)  # (B,S,K,E)
    dense_w = jnp.sum(tv[..., None] * onehot, axis=2)  # (B,S,E)
    out = jnp.zeros_like(h)
    for e in range(N_EXP):
        h1 = jax.nn.gelu(hn @ w1[e].T, approximate=False) * (hn @ w3[e].T)
        eo = h1 @ w2[e].T
        out = out + eo * dense_w[..., e:e + 1]
    sh = jax.nn.gelu(hn @ sw1.T, approximate=False) * (hn @ sw3.T)
    shared = sh @ sw2.T
    return out + shared + h

if __name__ == "__main__":
    import jax
    _d = setup_inputs()
    print(jax.jit(kernel)(*tuple(_d.values())))

</pallas_src>

<mosaic_0001>
#map = affine_map<(d0, d1) -> (0, 0)>
#map1 = affine_map<(d0, d1) -> (0)>
module attributes {stable_mosaic.version = 14 : i64} {
  func.func @_sc_combine(%arg0: i32, %arg1: i32, %arg2: memref<5888x768xf32, #tpu.memory_space<hbm>>, %arg3: memref<2048xi32, #tpu.memory_space<hbm>>, %arg4: memref<2048xi32, #tpu.memory_space<hbm>>, %arg5: memref<2048x768xf32, #tpu.memory_space<hbm>>, %arg6: memref<2048x768xf32, #tpu.memory_space<hbm>>, %arg7: memref<64xi32, #tpu.memory_space<vmem>>, %arg8: memref<64x768xf32, #tpu.memory_space<vmem>>, %arg9: memref<!tpu.dma_semaphore, #tpu.memory_space<semaphore_mem>>) attributes {dimension_semantics = [#tpu.dimension_semantics<core_parallel>, #tpu.dimension_semantics<subcore_parallel>], iteration_bounds = array<i64: 2, 16>, scalar_prefetch = 0 : i64, scratch_operands = 3 : i64, tpu.core_type = #tpu.core_type<sc_vector_subcore>, window_params = [{transform_indices = #map}, {transform_indices = #map1}, {transform_indices = #map1}, {transform_indices = #map}, {transform_indices = #map}]} {
    %mul3A = arith.constant 2 : i32
    %mul3A_0 = arith.muli %arg1, %mul3A : i32
    %add3A = arith.addi %mul3A_0, %arg0 : i32
    %mul3A_1 = arith.constant 64 : i32
    %mul3A_2 = arith.muli %add3A, %mul3A_1 : i32
    "tpu.region"() ({
      %run_scoped3A = tpu.sem_alloc : memref<!tpu.dma_semaphore, #tpu.memory_space<semaphore_mem>>
      %dma_start3A_13 = tpu.memref_slice %arg3[%mul3A_2] : memref<2048xi32, #tpu.memory_space<hbm>> -> memref<64xi32, #tpu.memory_space<hbm>>
      %dma_start3A_14 = tpu.memref_slice %arg3[%mul3A_2] : memref<2048xi32, #tpu.memory_space<hbm>> -> memref<64xi32, #tpu.memory_space<hbm>>
      tpu.enqueue_dma source(%dma_start3A_14 : memref<64xi32, #tpu.memory_space<hbm>>) target(%arg7 : memref<64xi32, #tpu.memory_space<vmem>>) target_semaphore(%run_scoped3A : memref<!tpu.dma_semaphore, #tpu.memory_space<semaphore_mem>>)
      %dma_wait3A_15 = tpu.memref_slice %arg3[%mul3A_2] : memref<2048xi32, #tpu.memory_space<hbm>> -> memref<64xi32, #tpu.memory_space<hbm>>
      %dma_wait3A_16 = tpu.memref_slice %arg3[%mul3A_2] : memref<2048xi32, #tpu.memory_space<hbm>> -> memref<64xi32, #tpu.memory_space<hbm>>
      tpu.wait_dma2 semaphore(%run_scoped3A : memref<!tpu.dma_semaphore, #tpu.memory_space<semaphore_mem>>) src(%dma_wait3A_16 : memref<64xi32, #tpu.memory_space<hbm>>) dst(%arg7 : memref<64xi32, #tpu.memory_space<vmem>>)
      tpu.yield
    }) : () -> ()
    %dma_start3A = arith.constant 0 : i32
    %dma_start3A_3 = arith.constant 0 : i32
    %dma_start3A_4 = tpu.memref_slice %arg2[%dma_start3A, %dma_start3A_3] : memref<5888x768xf32, #tpu.memory_space<hbm>> -> memref<5888x768xf32, #tpu.memory_space<hbm>>
    tpu.enqueue_indirect_dma source(%dma_start3A_4 : memref<5888x768xf32, #tpu.memory_space<hbm>>) target(%arg8 : memref<64x768xf32, #tpu.memory_space<vmem>>) offsets(%arg7 : memref<64xi32, #tpu.memory_space<vmem>>) semaphore(%arg9 : memref<!tpu.dma_semaphore, #tpu.memory_space<semaphore_mem>>)
    %dma_wait3A = arith.constant 0 : i32
    %dma_wait3A_5 = arith.constant 0 : i32
    %dma_wait3A_6 = tpu.memref_slice %arg2[%dma_wait3A, %dma_wait3A_5] : memref<5888x768xf32, #tpu.memory_space<hbm>> -> memref<5888x768xf32, #tpu.memory_space<hbm>>
    tpu.wait_indirect_dma semaphore(%arg9 : memref<!tpu.dma_semaphore, #tpu.memory_space<semaphore_mem>>) src(%dma_wait3A_6 : memref<5888x768xf32, #tpu.memory_space<hbm>>) dst(%arg8 : memref<64x768xf32, #tpu.memory_space<vmem>>)
    "tpu.region"() ({
      %run_scoped3A = tpu.sem_alloc : memref<!tpu.dma_semaphore, #tpu.memory_space<semaphore_mem>>
      %dma_start3A_13 = arith.constant 0 : i32
      %dma_start3A_14 = tpu.memref_slice %arg5[%mul3A_2, %dma_start3A_13] : memref<2048x768xf32, #tpu.memory_space<hbm>> -> memref<64x768xf32, #tpu.memory_space<hbm>>
      %dma_start3A_15 = arith.constant 0 : i32
      %dma_start3A_16 = tpu.memref_slice %arg5[%mul3A_2, %dma_start3A_15] : memref<2048x768xf32, #tpu.memory_space<hbm>> -> memref<64x768xf32, #tpu.memory_space<hbm>>
      tpu.enqueue_dma source(%arg8 : memref<64x768xf32, #tpu.memory_space<vmem>>) target(%dma_start3A_16 : memref<64x768xf32, #tpu.memory_space<hbm>>) target_semaphore(%run_scoped3A : memref<!tpu.dma_semaphore, #tpu.memory_space<semaphore_mem>>)
      %dma_wait3A_17 = arith.constant 0 : i32
      %dma_wait3A_18 = tpu.memref_slice %arg5[%mul3A_2, %dma_wait3A_17] : memref<2048x768xf32, #tpu.memory_space<hbm>> -> memref<64x768xf32, #tpu.memory_space<hbm>>
      %dma_wait3A_19 = arith.constant 0 : i32
      %dma_wait3A_20 = tpu.memref_slice %arg5[%mul3A_2, %dma_wait3A_19] : memref<2048x768xf32, #tpu.memory_space<hbm>> -> memref<64x768xf32, #tpu.memory_space<hbm>>
      tpu.wait_dma2 semaphore(%run_scoped3A : memref<!tpu.dma_semaphore, #tpu.memory_space<semaphore_mem>>) src(%arg8 : memref<64x768xf32, #tpu.memory_space<vmem>>) dst(%dma_wait3A_20 : memref<64x768xf32, #tpu.memory_space<hbm>>)
      tpu.yield
    }) : () -> ()
    "tpu.region"() ({
      %run_scoped3A = tpu.sem_alloc : memref<!tpu.dma_semaphore, #tpu.memory_space<semaphore_mem>>
      %dma_start3A_13 = tpu.memref_slice %arg4[%mul3A_2] : memref<2048xi32, #tpu.memory_space<hbm>> -> memref<64xi32, #tpu.memory_space<hbm>>
      %dma_start3A_14 = tpu.memref_slice %arg4[%mul3A_2] : memref<2048xi32, #tpu.memory_space<hbm>> -> memref<64xi32, #tpu.memory_space<hbm>>
      tpu.enqueue_dma source(%dma_start3A_14 : memref<64xi32, #tpu.memory_space<hbm>>) target(%arg7 : memref<64xi32, #tpu.memory_space<vmem>>) target_semaphore(%run_scoped3A : memref<!tpu.dma_semaphore, #tpu.memory_space<semaphore_mem>>)
      %dma_wait3A_15 = tpu.memref_slice %arg4[%mul3A_2] : memref<2048xi32, #tpu.memory_space<hbm>> -> memref<64xi32, #tpu.memory_space<hbm>>
      %dma_wait3A_16 = tpu.memref_slice %arg4[%mul3A_2] : memref<2048xi32, #tpu.memory_space<hbm>> -> memref<64xi32, #tpu.memory_space<hbm>>
      tpu.wait_dma2 semaphore(%run_scoped3A : memref<!tpu.dma_semaphore, #tpu.memory_space<semaphore_mem>>) src(%dma_wait3A_16 : memref<64xi32, #tpu.memory_space<hbm>>) dst(%arg7 : memref<64xi32, #tpu.memory_space<vmem>>)
      tpu.yield
    }) : () -> ()
    %dma_start3A_7 = arith.constant 0 : i32
    %dma_start3A_8 = arith.constant 0 : i32
    %dma_start3A_9 = tpu.memref_slice %arg2[%dma_start3A_7, %dma_start3A_8] : memref<5888x768xf32, #tpu.memory_space<hbm>> -> memref<5888x768xf32, #tpu.memory_space<hbm>>
    tpu.enqueue_indirect_dma source(%dma_start3A_9 : memref<5888x768xf32, #tpu.memory_space<hbm>>) target(%arg8 : memref<64x768xf32, #tpu.memory_space<vmem>>) offsets(%arg7 : memref<64xi32, #tpu.memory_space<vmem>>) semaphore(%arg9 : memref<!tpu.dma_semaphore, #tpu.memory_space<semaphore_mem>>)
    %dma_wait3A_10 = arith.constant 0 : i32
    %dma_wait3A_11 = arith.constant 0 : i32
    %dma_wait3A_12 = tpu.memref_slice %arg2[%dma_wait3A_10, %dma_wait3A_11] : memref<5888x768xf32, #tpu.memory_space<hbm>> -> memref<5888x768xf32, #tpu.memory_space<hbm>>
    tpu.wait_indirect_dma semaphore(%arg9 : memref<!tpu.dma_semaphore, #tpu.memory_space<semaphore_mem>>) src(%dma_wait3A_12 : memref<5888x768xf32, #tpu.memory_space<hbm>>) dst(%arg8 : memref<64x768xf32, #tpu.memory_space<vmem>>)
    "tpu.region"() ({
      %run_scoped3A = tpu.sem_alloc : memref<!tpu.dma_semaphore, #tpu.memory_space<semaphore_mem>>
      %dma_start3A_13 = arith.constant 0 : i32
      %dma_start3A_14 = tpu.memref_slice %arg6[%mul3A_2, %dma_start3A_13] : memref<2048x768xf32, #tpu.memory_space<hbm>> -> memref<64x768xf32, #tpu.memory_space<hbm>>
      %dma_start3A_15 = arith.constant 0 : i32
      %dma_start3A_16 = tpu.memref_slice %arg6[%mul3A_2, %dma_start3A_15] : memref<2048x768xf32, #tpu.memory_space<hbm>> -> memref<64x768xf32, #tpu.memory_space<hbm>>
      tpu.enqueue_dma source(%arg8 : memref<64x768xf32, #tpu.memory_space<vmem>>) target(%dma_start3A_16 : memref<64x768xf32, #tpu.memory_space<hbm>>) target_semaphore(%run_scoped3A : memref<!tpu.dma_semaphore, #tpu.memory_space<semaphore_mem>>)
      %dma_wait3A_17 = arith.constant 0 : i32
      %dma_wait3A_18 = tpu.memref_slice %arg6[%mul3A_2, %dma_wait3A_17] : memref<2048x768xf32, #tpu.memory_space<hbm>> -> memref<64x768xf32, #tpu.memory_space<hbm>>
      %dma_wait3A_19 = arith.constant 0 : i32
      %dma_wait3A_20 = tpu.memref_slice %arg6[%mul3A_2, %dma_wait3A_19] : memref<2048x768xf32, #tpu.memory_space<hbm>> -> memref<64x768xf32, #tpu.memory_space<hbm>>
      tpu.wait_dma2 semaphore(%run_scoped3A : memref<!tpu.dma_semaphore, #tpu.memory_space<semaphore_mem>>) src(%arg8 : memref<64x768xf32, #tpu.memory_space<vmem>>) dst(%dma_wait3A_20 : memref<64x768xf32, #tpu.memory_space<hbm>>)
      tpu.yield
    }) : () -> ()
    return
  }
}

#map = affine_map<(d0, d1) -> (0, 0)>
#map1 = affine_map<(d0, d1) -> (0)>
module attributes {stable_mosaic.version = 14 : i64} {
  func.func @_sc_dispatch(%arg0: i32, %arg1: i32, %arg2: memref<2048x768xf32, #tpu.memory_space<hbm>>, %arg3: memref<2048xi32, #tpu.memory_space<hbm>>, %arg4: memref<2048xi32, #tpu.memory_space<hbm>>, %arg5: memref<5888x768xf32, #tpu.memory_space<hbm>>, %arg6: memref<64xi32, #tpu.memory_space<vmem>>, %arg7: memref<64xi32, #tpu.memory_space<vmem>>, %arg8: memref<64x768xf32, #tpu.memory_space<vmem>>, %arg9: memref<!tpu.dma_semaphore, #tpu.memory_space<semaphore_mem>>, %arg10: memref<!tpu.dma_semaphore, #tpu.memory_space<semaphore_mem>>) attributes {dimension_semantics = [#tpu.dimension_semantics<core_parallel>, #tpu.dimension_semantics<subcore_parallel>], iteration_bounds = array<i64: 2, 16>, scalar_prefetch = 0 : i64, scratch_operands = 5 : i64, tpu.core_type = #tpu.core_type<sc_vector_subcore>, window_params = [{transform_indices = #map}, {transform_indices = #map1}, {transform_indices = #map1}, {transform_indices = #map}]} {
    %mul3A = arith.constant 2 : i32
    %mul3A_0 = arith.muli %arg1, %mul3A : i32
    %add3A = arith.addi %mul3A_0, %arg0 : i32
    %mul3A_1 = arith.constant 64 : i32
    %mul3A_2 = arith.muli %add3A, %mul3A_1 : i32
    "tpu.region"() ({
      %run_scoped3A = tpu.sem_alloc : memref<!tpu.dma_semaphore, #tpu.memory_space<semaphore_mem>>
      %dma_start3A_13 = arith.constant 0 : i32
      %dma_start3A_14 = tpu.memref_slice %arg2[%mul3A_2, %dma_start3A_13] : memref<2048x768xf32, #tpu.memory_space<hbm>> -> memref<64x768xf32, #tpu.memory_space<hbm>>
      %dma_start3A_15 = arith.constant 0 : i32
      %dma_start3A_16 = tpu.memref_slice %arg2[%mul3A_2, %dma_start3A_15] : memref<2048x768xf32, #tpu.memory_space<hbm>> -> memref<64x768xf32, #tpu.memory_space<hbm>>
      tpu.enqueue_dma source(%dma_start3A_16 : memref<64x768xf32, #tpu.memory_space<hbm>>) target(%arg8 : memref<64x768xf32, #tpu.memory_space<vmem>>) target_semaphore(%run_scoped3A : memref<!tpu.dma_semaphore, #tpu.memory_space<semaphore_mem>>)
      %dma_wait3A_17 = arith.constant 0 : i32
      %dma_wait3A_18 = tpu.memref_slice %arg2[%mul3A_2, %dma_wait3A_17] : memref<2048x768xf32, #tpu.memory_space<hbm>> -> memref<64x768xf32, #tpu.memory_space<hbm>>
      %dma_wait3A_19 = arith.constant 0 : i32
      %dma_wait3A_20 = tpu.memref_slice %arg2[%mul3A_2, %dma_wait3A_19] : memref<2048x768xf32, #tpu.memory_space<hbm>> -> memref<64x768xf32, #tpu.memory_space<hbm>>
      tpu.wait_dma2 semaphore(%run_scoped3A : memref<!tpu.dma_semaphore, #tpu.memory_space<semaphore_mem>>) src(%dma_wait3A_20 : memref<64x768xf32, #tpu.memory_space<hbm>>) dst(%arg8 : memref<64x768xf32, #tpu.memory_space<vmem>>)
      tpu.yield
    }) : () -> ()
    "tpu.region"() ({
      %run_scoped3A = tpu.sem_alloc : memref<!tpu.dma_semaphore, #tpu.memory_space<semaphore_mem>>
      %dma_start3A_13 = tpu.memref_slice %arg3[%mul3A_2] : memref<2048xi32, #tpu.memory_space<hbm>> -> memref<64xi32, #tpu.memory_space<hbm>>
      %dma_start3A_14 = tpu.memref_slice %arg3[%mul3A_2] : memref<2048xi32, #tpu.memory_space<hbm>> -> memref<64xi32, #tpu.memory_space<hbm>>
      tpu.enqueue_dma source(%dma_start3A_14 : memref<64xi32, #tpu.memory_space<hbm>>) target(%arg6 : memref<64xi32, #tpu.memory_space<vmem>>) target_semaphore(%run_scoped3A : memref<!tpu.dma_semaphore, #tpu.memory_space<semaphore_mem>>)
      %dma_wait3A_15 = tpu.memref_slice %arg3[%mul3A_2] : memref<2048xi32, #tpu.memory_space<hbm>> -> memref<64xi32, #tpu.memory_space<hbm>>
      %dma_wait3A_16 = tpu.memref_slice %arg3[%mul3A_2] : memref<2048xi32, #tpu.memory_space<hbm>> -> memref<64xi32, #tpu.memory_space<hbm>>
      tpu.wait_dma2 semaphore(%run_scoped3A : memref<!tpu.dma_semaphore, #tpu.memory_space<semaphore_mem>>) src(%dma_wait3A_16 : memref<64xi32, #tpu.memory_space<hbm>>) dst(%arg6 : memref<64xi32, #tpu.memory_space<vmem>>)
      tpu.yield
    }) : () -> ()
    "tpu.region"() ({
      %run_scoped3A = tpu.sem_alloc : memref<!tpu.dma_semaphore, #tpu.memory_space<semaphore_mem>>
      %dma_start3A_13 = tpu.memref_slice %arg4[%mul3A_2] : memref<2048xi32, #tpu.memory_space<hbm>> -> memref<64xi32, #tpu.memory_space<hbm>>
      %dma_start3A_14 = tpu.memref_slice %arg4[%mul3A_2] : memref<2048xi32, #tpu.memory_space<hbm>> -> memref<64xi32, #tpu.memory_space<hbm>>
      tpu.enqueue_dma source(%dma_start3A_14 : memref<64xi32, #tpu.memory_space<hbm>>) target(%arg7 : memref<64xi32, #tpu.memory_space<vmem>>) target_semaphore(%run_scoped3A : memref<!tpu.dma_semaphore, #tpu.memory_space<semaphore_mem>>)
      %dma_wait3A_15 = tpu.memref_slice %arg4[%mul3A_2] : memref<2048xi32, #tpu.memory_space<hbm>> -> memref<64xi32, #tpu.memory_space<hbm>>
      %dma_wait3A_16 = tpu.memref_slice %arg4[%mul3A_2] : memref<2048xi32, #tpu.memory_space<hbm>> -> memref<64xi32, #tpu.memory_space<hbm>>
      tpu.wait_dma2 semaphore(%run_scoped3A : memref<!tpu.dma_semaphore, #tpu.memory_space<semaphore_mem>>) src(%dma_wait3A_16 : memref<64xi32, #tpu.memory_space<hbm>>) dst(%arg7 : memref<64xi32, #tpu.memory_space<vmem>>)
      tpu.yield
    }) : () -> ()
    %dma_start3A = arith.constant 0 : i32
    %dma_start3A_3 = arith.constant 0 : i32
    %dma_start3A_4 = tpu.memref_slice %arg5[%dma_start3A, %dma_start3A_3] : memref<5888x768xf32, #tpu.memory_space<hbm>> -> memref<5888x768xf32, #tpu.memory_space<hbm>>
    tpu.enqueue_indirect_dma source(%arg8 : memref<64x768xf32, #tpu.memory_space<vmem>>) target(%dma_start3A_4 : memref<5888x768xf32, #tpu.memory_space<hbm>>) offsets(%arg6 : memref<64xi32, #tpu.memory_space<vmem>>) semaphore(%arg9 : memref<!tpu.dma_semaphore, #tpu.memory_space<semaphore_mem>>)
    %dma_start3A_5 = arith.constant 0 : i32
    %dma_start3A_6 = arith.constant 0 : i32
    %dma_start3A_7 = tpu.memref_slice %arg5[%dma_start3A_5, %dma_start3A_6] : memref<5888x768xf32, #tpu.memory_space<hbm>> -> memref<5888x768xf32, #tpu.memory_space<hbm>>
    tpu.enqueue_indirect_dma source(%arg8 : memref<64x768xf32, #tpu.memory_space<vmem>>) target(%dma_start3A_7 : memref<5888x768xf32, #tpu.memory_space<hbm>>) offsets(%arg7 : memref<64xi32, #tpu.memory_space<vmem>>) semaphore(%arg10 : memref<!tpu.dma_semaphore, #tpu.memory_space<semaphore_mem>>)
    %dma_wait3A = arith.constant 0 : i32
    %dma_wait3A_8 = arith.constant 0 : i32
    %dma_wait3A_9 = tpu.memref_slice %arg5[%dma_wait3A, %dma_wait3A_8] : memref<5888x768xf32, #tpu.memory_space<hbm>> -> memref<5888x768xf32, #tpu.memory_space<hbm>>
    tpu.wait_indirect_dma semaphore(%arg9 : memref<!tpu.dma_semaphore, #tpu.memory_space<semaphore_mem>>) src(%arg8 : memref<64x768xf32, #tpu.memory_space<vmem>>) dst(%dma_wait3A_9 : memref<5888x768xf32, #tpu.memory_space<hbm>>)
    %dma_wait3A_10 = arith.constant 0 : i32
    %dma_wait3A_11 = arith.constant 0 : i32
    %dma_wait3A_12 = tpu.memref_slice %arg5[%dma_wait3A_10, %dma_wait3A_11] : memref<5888x768xf32, #tpu.memory_space<hbm>> -> memref<5888x768xf32, #tpu.memory_space<hbm>>
    tpu.wait_indirect_dma semaphore(%arg10 : memref<!tpu.dma_semaphore, #tpu.memory_space<semaphore_mem>>) src(%arg8 : memref<64x768xf32, #tpu.memory_space<vmem>>) dst(%dma_wait3A_12 : memref<5888x768xf32, #tpu.memory_space<hbm>>)
    return
  }
}

module attributes {stable_mosaic.version = 14 : i64} {
  func.func @_attn_body(%arg0: i32, %arg1: memref<256x768xf32, #tpu.memory_space<vmem>>, %arg2: memref<768x768xbf16, #tpu.memory_space<vmem>>, %arg3: memref<768x768xbf16, #tpu.memory_space<vmem>>, %arg4: memref<1536x768xbf16, #tpu.memory_space<vmem>>, %arg5: memref<256x768xf32, #tpu.memory_space<vmem>>, %arg6: memref<256x768xf32, #tpu.memory_space<vmem>>, %arg7: memref<12x256x64xf32, #tpu.memory_space<vmem>>) attributes {dimension_semantics = [#tpu.dimension_semantics<arbitrary>], iteration_bounds = array<i64: 8>, scalar_prefetch = 0 : i64, scratch_operands = 0 : i64, tpu.core_type = #tpu.core_type<tc>, window_params = [{transform_indices = @transform_0, window_bounds = array<i64: 256, 768>}, {pipeline_mode = #tpu.pipeline_mode<synchronous>, transform_indices = @transform_1, window_bounds = array<i64: 768, 768>}, {pipeline_mode = #tpu.pipeline_mode<synchronous>, transform_indices = @transform_2, window_bounds = array<i64: 768, 768>}, {pipeline_mode = #tpu.pipeline_mode<synchronous>, transform_indices = @transform_3, window_bounds = array<i64: 1536, 768>}, {transform_indices = @transform_4, window_bounds = array<i64: 256, 768>}, {transform_indices = @transform_5, window_bounds = array<i64: 256, 768>}, {transform_indices = @transform_6, window_bounds = array<i64: 12, 256, 64>}]} {
    %get3A = arith.constant 0 : index
    %get3A_0 = arith.constant 0 : index
    %get3A_1 = vector.load %arg1[%get3A, %get3A_0] : memref<256x768xf32, #tpu.memory_space<vmem>>, vector<256x768xf32>
    %mul3A = arith.mulf %get3A_1, %get3A_1 : vector<256x768xf32>
    %reduce_sum3A = arith.constant dense<0.000000e+00> : vector<256xf32>
    %reduce_sum3A_2 = vector.multi_reduction <add>, %mul3A, %reduce_sum3A [1] : vector<256x768xf32> to vector<256xf32>
    %broadcast_in_dim3A = vector.shape_cast %reduce_sum3A_2 : vector<256xf32> to vector<256x1xf32>
    %div3A = arith.constant 7.680000e+02 : f32
    %div3A_3 = vector.broadcast %div3A : f32 to vector<256x1xf32>
    %div3A_4 = arith.divf %broadcast_in_dim3A, %div3A_3 : vector<256x1xf32>
    %add3A = arith.constant 9.99999997E-7 : f32
    %add3A_5 = vector.broadcast %add3A : f32 to vector<256x1xf32>
    %add3A_6 = arith.addf %div3A_4, %add3A_5 : vector<256x1xf32>
    %rsqrt3A = math.rsqrt %add3A_6 : vector<256x1xf32>
    %mul3A_7 = vector.broadcast %rsqrt3A : vector<256x1xf32> to vector<256x768xf32>
    %mul3A_8 = arith.mulf %get3A_1, %mul3A_7 : vector<256x768xf32>
    %convert_element_type3A = arith.truncf %mul3A_8 : vector<256x768xf32> to vector<256x768xbf16>
    %get3A_9 = arith.constant 0 : index
    %get3A_10 = arith.constant 0 : index
    %get3A_11 = vector.load %arg2[%get3A_9, %get3A_10] : memref<768x768xbf16, #tpu.memory_space<vmem>>, vector<768x768xbf16>
    %dot_general3A = arith.constant dense<0.000000e+00> : vector<256x768xf32>
    %dot_general3A_12 = tpu.matmul %convert_element_type3A, %get3A_11, %dot_general3A {dimension_numbers = #tpu.dot_dimension_numbers<[1], [1], [0], [0], [0, 0, 1, 0], [], []>, transpose_lhs_hint = false} : vector<256x768xbf16>, vector<768x768xbf16>, vector<256x768xf32> -> vector<256x768xf32>
    %get3A_13 = arith.constant 0 : index
    %get3A_14 = arith.constant 0 : index
    %get3A_15 = vector.load %arg3[%get3A_13, %get3A_14] : memref<768x768xbf16, #tpu.memory_space<vmem>>, vector<768x768xbf16>
    %dot_general3A_16 = arith.constant dense<0.000000e+00> : vector<256x768xf32>
    %dot_general3A_17 = tpu.matmul %convert_element_type3A, %get3A_15, %dot_general3A_16 {dimension_numbers = #tpu.dot_dimension_numbers<[1], [1], [0], [0], [0, 0, 1, 0], [], []>, transpose_lhs_hint = false} : vector<256x768xbf16>, vector<768x768xbf16>, vector<256x768xf32> -> vector<256x768xf32>
    %get3A_18 = arith.constant 0 : index
    %get3A_19 = arith.constant 0 : index
    %get3A_20 = vector.load %arg5[%get3A_18, %get3A_19] : memref<256x768xf32, #tpu.memory_space<vmem>>, vector<256x768xf32>
    %mul3A_21 = arith.mulf %dot_general3A_12, %get3A_20 : vector<256x768xf32>
    %get3A_22 = arith.constant 0 : index
    %get3A_23 = arith.constant 0 : index
    %get3A_24 = vector.load %arg6[%get3A_22, %get3A_23] : memref<256x768xf32, #tpu.memory_space<vmem>>, vector<256x768xf32>
    %mul3A_25 = arith.mulf %dot_general3A_17, %get3A_24 : vector<256x768xf32>
    %add3A_26 = arith.addf %mul3A_21, %mul3A_25 : vector<256x768xf32>
    %get3A_27 = arith.constant 0 : index
    %get3A_28 = arith.constant 0 : index
    %get3A_29 = vector.load %arg4[%get3A_27, %get3A_28] : memref<1536x768xbf16, #tpu.memory_space<vmem>>, vector<1536x768xbf16>
    %dot_general3A_30 = arith.constant dense<0.000000e+00> : vector<256x1536xf32>
    %dot_general3A_31 = tpu.matmul %convert_element_type3A, %get3A_29, %dot_general3A_30 {dimension_numbers = #tpu.dot_dimension_numbers<[1], [1], [0], [0], [0, 0, 1, 0], [], []>, transpose_lhs_hint = false} : vector<256x768xbf16>, vector<1536x768xbf16>, vector<256x1536xf32> -> vector<256x1536xf32>
    %slice3A = vector.extract_strided_slice %dot_general3A_31 {offsets = [0, 0], sizes = [256, 64], strides = [1, 1]} : vector<256x1536xf32> to vector<256x64xf32>
    %slice3A_32 = vector.extract_strided_slice %dot_general3A_31 {offsets = [0, 128], sizes = [256, 64], strides = [1, 1]} : vector<256x1536xf32> to vector<256x64xf32>
    %slice3A_33 = vector.extract_strided_slice %dot_general3A_31 {offsets = [0, 256], sizes = [256, 64], strides = [1, 1]} : vector<256x1536xf32> to vector<256x64xf32>
    %slice3A_34 = vector.extract_strided_slice %dot_general3A_31 {offsets = [0, 384], sizes = [256, 64], strides = [1, 1]} : vector<256x1536xf32> to vector<256x64xf32>
    %slice3A_35 = vector.extract_strided_slice %dot_general3A_31 {offsets = [0, 512], sizes = [256, 64], strides = [1, 1]} : vector<256x1536xf32> to vector<256x64xf32>
    %slice3A_36 = vector.extract_strided_slice %dot_general3A_31 {offsets = [0, 640], sizes = [256, 64], strides = [1, 1]} : vector<256x1536xf32> to vector<256x64xf32>
    %slice3A_37 = vector.extract_strided_slice %dot_general3A_31 {offsets = [0, 768], sizes = [256, 64], strides = [1, 1]} : vector<256x1536xf32> to vector<256x64xf32>
    %slice3A_38 = vector.extract_strided_slice %dot_general3A_31 {offsets = [0, 896], sizes = [256, 64], strides = [1, 1]} : vector<256x1536xf32> to vector<256x64xf32>
    %slice3A_39 = vector.extract_strided_slice %dot_general3A_31 {offsets = [0, 1024], sizes = [256, 64], strides = [1, 1]} : vector<256x1536xf32> to vector<256x64xf32>
    %slice3A_40 = vector.extract_strided_slice %dot_general3A_31 {offsets = [0, 1152], sizes = [256, 64], strides = [1, 1]} : vector<256x1536xf32> to vector<256x64xf32>
    %slice3A_41 = vector.extract_strided_slice %dot_general3A_31 {offsets = [0, 1280], sizes = [256, 64], strides = [1, 1]} : vector<256x1536xf32> to vector<256x64xf32>
    %slice3A_42 = vector.extract_strided_slice %dot_general3A_31 {offsets = [0, 1408], sizes = [256, 64], strides = [1, 1]} : vector<256x1536xf32> to vector<256x64xf32>
    %concatenate3A = tpu.concatenate %slice3A, %slice3A_32, %slice3A_33, %slice3A_34, %slice3A_35, %slice3A_36, %slice3A_37, %slice3A_38, %slice3A_39, %slice3A_40, %slice3A_41, %slice3A_42 in 1 : vector<256x64xf32>, vector<256x64xf32>, vector<256x64xf32>, vector<256x64xf32>, vector<256x64xf32>, vector<256x64xf32>, vector<256x64xf32>, vector<256x64xf32>, vector<256x64xf32>, vector<256x64xf32>, vector<256x64xf32>, vector<256x64xf32> -> vector<256x768xf32>
    %slice3A_43 = vector.extract_strided_slice %dot_general3A_31 {offsets = [0, 64], sizes = [256, 64], strides = [1, 1]} : vector<256x1536xf32> to vector<256x64xf32>
    %slice3A_44 = vector.extract_strided_slice %dot_general3A_31 {offsets = [0, 192], sizes = [256, 64], strides = [1, 1]} : vector<256x1536xf32> to vector<256x64xf32>
    %slice3A_45 = vector.extract_strided_slice %dot_general3A_31 {offsets = [0, 320], sizes = [256, 64], strides = [1, 1]} : vector<256x1536xf32> to vector<256x64xf32>
    %slice3A_46 = vector.extract_strided_slice %dot_general3A_31 {offsets = [0, 448], sizes = [256, 64], strides = [1, 1]} : vector<256x1536xf32> to vector<256x64xf32>
    %slice3A_47 = vector.extract_strided_slice %dot_general3A_31 {offsets = [0, 576], sizes = [256, 64], strides = [1, 1]} : vector<256x1536xf32> to vector<256x64xf32>
    %slice3A_48 = vector.extract_strided_slice %dot_general3A_31 {offsets = [0, 704], sizes = [256, 64], strides = [1, 1]} : vector<256x1536xf32> to vector<256x64xf32>
    %slice3A_49 = vector.extract_strided_slice %dot_general3A_31 {offsets = [0, 832], sizes = [256, 64], strides = [1, 1]} : vector<256x1536xf32> to vector<256x64xf32>
    %slice3A_50 = vector.extract_strided_slice %dot_general3A_31 {offsets = [0, 960], sizes = [256, 64], strides = [1, 1]} : vector<256x1536xf32> to vector<256x64xf32>
    %slice3A_51 = vector.extract_strided_slice %dot_general3A_31 {offsets = [0, 1088], sizes = [256, 64], strides = [1, 1]} : vector<256x1536xf32> to vector<256x64xf32>
    %slice3A_52 = vector.extract_strided_slice %dot_general3A_31 {offsets = [0, 1216], sizes = [256, 64], strides = [1, 1]} : vector<256x1536xf32> to vector<256x64xf32>
    %slice3A_53 = vector.extract_strided_slice %dot_general3A_31 {offsets = [0, 1344], sizes = [256, 64], strides = [1, 1]} : vector<256x1536xf32> to vector<256x64xf32>
    %slice3A_54 = vector.extract_strided_slice %dot_general3A_31 {offsets = [0, 1472], sizes = [256, 64], strides = [1, 1]} : vector<256x1536xf32> to vector<256x64xf32>
    %concatenate3A_55 = tpu.concatenate %slice3A_43, %slice3A_44, %slice3A_45, %slice3A_46, %slice3A_47, %slice3A_48, %slice3A_49, %slice3A_50, %slice3A_51, %slice3A_52, %slice3A_53, %slice3A_54 in 1 : vector<256x64xf32>, vector<256x64xf32>, vector<256x64xf32>, vector<256x64xf32>, vector<256x64xf32>, vector<256x64xf32>, vector<256x64xf32>, vector<256x64xf32>, vector<256x64xf32>, vector<256x64xf32>, vector<256x64xf32>, vector<256x64xf32> -> vector<256x768xf32>
    %reshape3A = vector.shape_cast %add3A_26 : vector<256x768xf32> to vector<256x12x64xf32>
    %reshape3A_56 = vector.shape_cast %concatenate3A : vector<256x768xf32> to vector<256x12x64xf32>
    %reshape3A_57 = vector.shape_cast %concatenate3A_55 : vector<256x768xf32> to vector<256x12x64xf32>
    %dot_general3A_58 = arith.constant dense<0.000000e+00> : vector<256x12x12xf32>
    %dot_general3A_59 = tpu.matmul %reshape3A, %reshape3A_56, %dot_general3A_58 {dimension_numbers = #tpu.dot_dimension_numbers<[2], [2], [1], [1], [0, 0, 0, 1, 1, 1], [0], [0]>, transpose_lhs_hint = false} : vector<256x12x64xf32>, vector<256x12x64xf32>, vector<256x12x12xf32> -> vector<256x12x12xf32>
    %mul3A_60 = arith.constant 1.250000e-01 : f32
    %mul3A_61 = vector.broadcast %mul3A_60 : f32 to vector<256x12x12xf32>
    %mul3A_62 = arith.mulf %dot_general3A_59, %mul3A_61 : vector<256x12x12xf32>
    %reduce_max3A = arith.constant dense<0xFF800000> : vector<256x12xf32>
    %reduce_max3A_63 = vector.multi_reduction <maximumf>, %mul3A_62, %reduce_max3A [2] : vector<256x12x12xf32> to vector<256x12xf32>
    %broadcast_in_dim3A_64 = vector.shape_cast %reduce_max3A_63 : vector<256x12xf32> to vector<256x12x1xf32>
    %sub3A = vector.broadcast %broadcast_in_dim3A_64 : vector<256x12x1xf32> to vector<256x12x12xf32>
    %sub3A_65 = arith.subf %mul3A_62, %sub3A : vector<256x12x12xf32>
    %exp3A = math.exp %sub3A_65 : vector<256x12x12xf32>
    %reduce_sum3A_66 = arith.constant dense<0.000000e+00> : vector<256x12xf32>
    %reduce_sum3A_67 = vector.multi_reduction <add>, %exp3A, %reduce_sum3A_66 [2] : vector<256x12x12xf32> to vector<256x12xf32>
    %broadcast_in_dim3A_68 = vector.shape_cast %reduce_sum3A_67 : vector<256x12xf32> to vector<256x12x1xf32>
    %div3A_69 = vector.broadcast %broadcast_in_dim3A_68 : vector<256x12x1xf32> to vector<256x12x12xf32>
    %div3A_70 = arith.divf %exp3A, %div3A_69 : vector<256x12x12xf32>
    %dot_general3A_71 = arith.constant dense<0.000000e+00> : vector<256x12x64xf32>
    %dot_general3A_72 = tpu.matmul %div3A_70, %reshape3A_57, %dot_general3A_71 {dimension_numbers = #tpu.dot_dimension_numbers<[2], [1], [1], [2], [0, 0, 0, 1, 1, 2], [0], [0]>, transpose_lhs_hint = false} : vector<256x12x12xf32>, vector<256x12x64xf32>, vector<256x12x64xf32> -> vector<256x12x64xf32>
    %slice3A_73 = vector.extract_strided_slice %dot_general3A_72 {offsets = [0, 0, 0], sizes = [256, 1, 64], strides = [1, 1, 1]} : vector<256x12x64xf32> to vector<256x1x64xf32>
    %squeeze3A = vector.shape_cast %slice3A_73 : vector<256x1x64xf32> to vector<256x64xf32>
    %swap3A = arith.constant 0 : index
    %swap3A_74 = arith.constant 0 : index
    %swap3A_75 = arith.constant 0 : index
    %swap3A_76 = vector.load %arg7[%swap3A, %swap3A_74, %swap3A_75] : memref<12x256x64xf32, #tpu.memory_space<vmem>>, vector<1x256x64xf32>
    %swap3A_77 = vector.shape_cast %swap3A_76 : vector<1x256x64xf32> to vector<256x64xf32>
    %swap3A_78 = vector.shape_cast %squeeze3A : vector<256x64xf32> to vector<1x256x64xf32>
    tpu.vector_store %arg7[%swap3A, %swap3A_74, %swap3A_75], %swap3A_78 {strides = array<i32>} : memref<12x256x64xf32, #tpu.memory_space<vmem>>, vector<1x256x64xf32>,
    %slice3A_79 = vector.extract_strided_slice %dot_general3A_72 {offsets = [0, 1, 0], sizes = [256, 1, 64], strides = [1, 1, 1]} : vector<256x12x64xf32> to vector<256x1x64xf32>
    %squeeze3A_80 = vector.shape_cast %slice3A_79 : vector<256x1x64xf32> to vector<256x64xf32>
    %swap3A_81 = arith.constant 1 : index
    %swap3A_82 = arith.constant 0 : index
    %swap3A_83 = arith.constant 0 : index
    %swap3A_84 = vector.load %arg7[%swap3A_81, %swap3A_82, %swap3A_83] : memref<12x256x64xf32, #tpu.memory_space<vmem>>, vector<1x256x64xf32>
    %swap3A_85 = vector.shape_cast %swap3A_84 : vector<1x256x64xf32> to vector<256x64xf32>
    %swap3A_86 = vector.shape_cast %squeeze3A_80 : vector<256x64xf32> to vector<1x256x64xf32>
    tpu.vector_store %arg7[%swap3A_81, %swap3A_82, %swap3A_83], %swap3A_86 {strides = array<i32>} : memref<12x256x64xf32, #tpu.memory_space<vmem>>, vector<1x256x64xf32>,
    %slice3A_87 = vector.extract_strided_slice %dot_general3A_72 {offsets = [0, 2, 0], sizes = [256, 1, 64], strides = [1, 1, 1]} : vector<256x12x64xf32> to vector<256x1x64xf32>
    %squeeze3A_88 = vector.shape_cast %slice3A_87 : vector<256x1x64xf32> to vector<256x64xf32>
    %swap3A_89 = arith.constant 2 : index
    %swap3A_90 = arith.constant 0 : index
    %swap3A_91 = arith.constant 0 : index
    %swap3A_92 = vector.load %arg7[%swap3A_89, %swap3A_90, %swap3A_91] : memref<12x256x64xf32, #tpu.memory_space<vmem>>, vector<1x256x64xf32>
    %swap3A_93 = vector.shape_cast %swap3A_92 : vector<1x256x64xf32> to vector<256x64xf32>
    %swap3A_94 = vector.shape_cast %squeeze3A_88 : vector<256x64xf32> to vector<1x256x64xf32>
    tpu.vector_store %arg7[%swap3A_89, %swap3A_90, %swap3A_91], %swap3A_94 {strides = array<i32>} : memref<12x256x64xf32, #tpu.memory_space<vmem>>, vector<1x256x64xf32>,
    %slice3A_95 = vector.extract_strided_slice %dot_general3A_72 {offsets = [0, 3, 0], sizes = [256, 1, 64], strides = [1, 1, 1]} : vector<256x12x64xf32> to vector<256x1x64xf32>
    %squeeze3A_96 = vector.shape_cast %slice3A_95 : vector<256x1x64xf32> to vector<256x64xf32>
    %swap3A_97 = arith.constant 3 : index
    %swap3A_98 = arith.constant 0 : index
    %swap3A_99 = arith.constant 0 : index
    %swap3A_100 = vector.load %arg7[%swap3A_97, %swap3A_98, %swap3A_99] : memref<12x256x64xf32, #tpu.memory_space<vmem>>, vector<1x256x64xf32>
    %swap3A_101 = vector.shape_cast %swap3A_100 : vector<1x256x64xf32> to vector<256x64xf32>
    %swap3A_102 = vector.shape_cast %squeeze3A_96 : vector<256x64xf32> to vector<1x256x64xf32>
    tpu.vector_store %arg7[%swap3A_97, %swap3A_98, %swap3A_99], %swap3A_102 {strides = array<i32>} : memref<12x256x64xf32, #tpu.memory_space<vmem>>, vector<1x256x64xf32>,
    %slice3A_103 = vector.extract_strided_slice %dot_general3A_72 {offsets = [0, 4, 0], sizes = [256, 1, 64], strides = [1, 1, 1]} : vector<256x12x64xf32> to vector<256x1x64xf32>
    %squeeze3A_104 = vector.shape_cast %slice3A_103 : vector<256x1x64xf32> to vector<256x64xf32>
    %swap3A_105 = arith.constant 4 : index
    %swap3A_106 = arith.constant 0 : index
    %swap3A_107 = arith.constant 0 : index
    %swap3A_108 = vector.load %arg7[%swap3A_105, %swap3A_106, %swap3A_107] : memref<12x256x64xf32, #tpu.memory_space<vmem>>, vector<1x256x64xf32>
    %swap3A_109 = vector.shape_cast %swap3A_108 : vector<1x256x64xf32> to vector<256x64xf32>
    %swap3A_110 = vector.shape_cast %squeeze3A_104 : vector<256x64xf32> to vector<1x256x64xf32>
    tpu.vector_store %arg7[%swap3A_105, %swap3A_106, %swap3A_107], %swap3A_110 {strides = array<i32>} : memref<12x256x64xf32, #tpu.memory_space<vmem>>, vector<1x256x64xf32>,
    %slice3A_111 = vector.extract_strided_slice %dot_general3A_72 {offsets = [0, 5, 0], sizes = [256, 1, 64], strides = [1, 1, 1]} : vector<256x12x64xf32> to vector<256x1x64xf32>
    %squeeze3A_112 = vector.shape_cast %slice3A_111 : vector<256x1x64xf32> to vector<256x64xf32>
    %swap3A_113 = arith.constant 5 : index
    %swap3A_114 = arith.constant 0 : index
    %swap3A_115 = arith.constant 0 : index
    %swap3A_116 = vector.load %arg7[%swap3A_113, %swap3A_114, %swap3A_115] : memref<12x256x64xf32, #tpu.memory_space<vmem>>, vector<1x256x64xf32>
    %swap3A_117 = vector.shape_cast %swap3A_116 : vector<1x256x64xf32> to vector<256x64xf32>
    %swap3A_118 = vector.shape_cast %squeeze3A_112 : vector<256x64xf32> to vector<1x256x64xf32>
    tpu.vector_store %arg7[%swap3A_113, %swap3A_114, %swap3A_115], %swap3A_118 {strides = array<i32>} : memref<12x256x64xf32, #tpu.memory_space<vmem>>, vector<1x256x64xf32>,
    %slice3A_119 = vector.extract_strided_slice %dot_general3A_72 {offsets = [0, 6, 0], sizes = [256, 1, 64], strides = [1, 1, 1]} : vector<256x12x64xf32> to vector<256x1x64xf32>
    %squeeze3A_120 = vector.shape_cast %slice3A_119 : vector<256x1x64xf32> to vector<256x64xf32>
    %swap3A_121 = arith.constant 6 : index
    %swap3A_122 = arith.constant 0 : index
    %swap3A_123 = arith.constant 0 : index
    %swap3A_124 = vector.load %arg7[%swap3A_121, %swap3A_122, %swap3A_123] : memref<12x256x64xf32, #tpu.memory_space<vmem>>, vector<1x256x64xf32>
    %swap3A_125 = vector.shape_cast %swap3A_124 : vector<1x256x64xf32> to vector<256x64xf32>
    %swap3A_126 = vector.shape_cast %squeeze3A_120 : vector<256x64xf32> to vector<1x256x64xf32>
    tpu.vector_store %arg7[%swap3A_121, %swap3A_122, %swap3A_123], %swap3A_126 {strides = array<i32>} : memref<12x256x64xf32, #tpu.memory_space<vmem>>, vector<1x256x64xf32>,
    %slice3A_127 = vector.extract_strided_slice %dot_general3A_72 {offsets = [0, 7, 0], sizes = [256, 1, 64], strides = [1, 1, 1]} : vector<256x12x64xf32> to vector<256x1x64xf32>
    %squeeze3A_128 = vector.shape_cast %slice3A_127 : vector<256x1x64xf32> to vector<256x64xf32>
    %swap3A_129 = arith.constant 7 : index
    %swap3A_130 = arith.constant 0 : index
    %swap3A_131 = arith.constant 0 : index
    %swap3A_132 = vector.load %arg7[%swap3A_129, %swap3A_130, %swap3A_131] : memref<12x256x64xf32, #tpu.memory_space<vmem>>, vector<1x256x64xf32>
    %swap3A_133 = vector.shape_cast %swap3A_132 : vector<1x256x64xf32> to vector<256x64xf32>
    %swap3A_134 = vector.shape_cast %squeeze3A_128 : vector<256x64xf32> to vector<1x256x64xf32>
    tpu.vector_store %arg7[%swap3A_129, %swap3A_130, %swap3A_131], %swap3A_134 {strides = array<i32>} : memref<12x256x64xf32, #tpu.memory_space<vmem>>, vector<1x256x64xf32>,
    %slice3A_135 = vector.extract_strided_slice %dot_general3A_72 {offsets = [0, 8, 0], sizes = [256, 1, 64], strides = [1, 1, 1]} : vector<256x12x64xf32> to vector<256x1x64xf32>
    %squeeze3A_136 = vector.shape_cast %slice3A_135 : vector<256x1x64xf32> to vector<256x64xf32>
    %swap3A_137 = arith.constant 8 : index
    %swap3A_138 = arith.constant 0 : index
    %swap3A_139 = arith.constant 0 : index
    %swap3A_140 = vector.load %arg7[%swap3A_137, %swap3A_138, %swap3A_139] : memref<12x256x64xf32, #tpu.memory_space<vmem>>, vector<1x256x64xf32>
    %swap3A_141 = vector.shape_cast %swap3A_140 : vector<1x256x64xf32> to vector<256x64xf32>
    %swap3A_142 = vector.shape_cast %squeeze3A_136 : vector<256x64xf32> to vector<1x256x64xf32>
    tpu.vector_store %arg7[%swap3A_137, %swap3A_138, %swap3A_139], %swap3A_142 {strides = array<i32>} : memref<12x256x64xf32, #tpu.memory_space<vmem>>, vector<1x256x64xf32>,
    %slice3A_143 = vector.extract_strided_slice %dot_general3A_72 {offsets = [0, 9, 0], sizes = [256, 1, 64], strides = [1, 1, 1]} : vector<256x12x64xf32> to vector<256x1x64xf32>
    %squeeze3A_144 = vector.shape_cast %slice3A_143 : vector<256x1x64xf32> to vector<256x64xf32>
    %swap3A_145 = arith.constant 9 : index
    %swap3A_146 = arith.constant 0 : index
    %swap3A_147 = arith.constant 0 : index
    %swap3A_148 = vector.load %arg7[%swap3A_145, %swap3A_146, %swap3A_147] : memref<12x256x64xf32, #tpu.memory_space<vmem>>, vector<1x256x64xf32>
    %swap3A_149 = vector.shape_cast %swap3A_148 : vector<1x256x64xf32> to vector<256x64xf32>
    %swap3A_150 = vector.shape_cast %squeeze3A_144 : vector<256x64xf32> to vector<1x256x64xf32>
    tpu.vector_store %arg7[%swap3A_145, %swap3A_146, %swap3A_147], %swap3A_150 {strides = array<i32>} : memref<12x256x64xf32, #tpu.memory_space<vmem>>, vector<1x256x64xf32>,
    %slice3A_151 = vector.extract_strided_slice %dot_general3A_72 {offsets = [0, 10, 0], sizes = [256, 1, 64], strides = [1, 1, 1]} : vector<256x12x64xf32> to vector<256x1x64xf32>
    %squeeze3A_152 = vector.shape_cast %slice3A_151 : vector<256x1x64xf32> to vector<256x64xf32>
    %swap3A_153 = arith.constant 10 : index
    %swap3A_154 = arith.constant 0 : index
    %swap3A_155 = arith.constant 0 : index
    %swap3A_156 = vector.load %arg7[%swap3A_153, %swap3A_154, %swap3A_155] : memref<12x256x64xf32, #tpu.memory_space<vmem>>, vector<1x256x64xf32>
    %swap3A_157 = vector.shape_cast %swap3A_156 : vector<1x256x64xf32> to vector<256x64xf32>
    %swap3A_158 = vector.shape_cast %squeeze3A_152 : vector<256x64xf32> to vector<1x256x64xf32>
    tpu.vector_store %arg7[%swap3A_153, %swap3A_154, %swap3A_155], %swap3A_158 {strides = array<i32>} : memref<12x256x64xf32, #tpu.memory_space<vmem>>, vector<1x256x64xf32>,
    %slice3A_159 = vector.extract_strided_slice %dot_general3A_72 {offsets = [0, 11, 0], sizes = [256, 1, 64], strides = [1, 1, 1]} : vector<256x12x64xf32> to vector<256x1x64xf32>
    %squeeze3A_160 = vector.shape_cast %slice3A_159 : vector<256x1x64xf32> to vector<256x64xf32>
    %swap3A_161 = arith.constant 11 : index
    %swap3A_162 = arith.constant 0 : index
    %swap3A_163 = arith.constant 0 : index
    %swap3A_164 = vector.load %arg7[%swap3A_161, %swap3A_162, %swap3A_163] : memref<12x256x64xf32, #tpu.memory_space<vmem>>, vector<1x256x64xf32>
    %swap3A_165 = vector.shape_cast %swap3A_164 : vector<1x256x64xf32> to vector<256x64xf32>
    %swap3A_166 = vector.shape_cast %squeeze3A_160 : vector<256x64xf32> to vector<1x256x64xf32>
    tpu.vector_store %arg7[%swap3A_161, %swap3A_162, %swap3A_163], %swap3A_166 {strides = array<i32>} : memref<12x256x64xf32, #tpu.memory_space<vmem>>, vector<1x256x64xf32>,
    return
  }
  func.func @transform_0(%arg0: i32) -> (i32, i32) {
    %c0_i32 = arith.constant 0 : i32
    %c0_i32_0 = arith.constant 0 : i32
    return %arg0, %c0_i32 : i32, i32
  }
  func.func @transform_1(%arg0: i32) -> (i32, i32) {
    %c0_i32 = arith.constant 0 : i32
    %c0_i32_0 = arith.constant 0 : i32
    %c0_i32_1 = arith.constant 0 : i32
    return %c0_i32, %c0_i32_0 : i32, i32
  }
  func.func @transform_2(%arg0: i32) -> (i32, i32) {
    %c0_i32 = arith.constant 0 : i32
    %c0_i32_0 = arith.constant 0 : i32
    %c0_i32_1 = arith.constant 0 : i32
    return %c0_i32, %c0_i32_0 : i32, i32
  }
  func.func @transform_3(%arg0: i32) -> (i32, i32) {
    %c0_i32 = arith.constant 0 : i32
    %c0_i32_0 = arith.constant 0 : i32
    %c0_i32_1 = arith.constant 0 : i32
    return %c0_i32, %c0_i32_0 : i32, i32
  }
  func.func @transform_4(%arg0: i32) -> (i32, i32) {
    %c0_i32 = arith.constant 0 : i32
    %c0_i32_0 = arith.constant 0 : i32
    return %arg0, %c0_i32 : i32, i32
  }
  func.func @transform_5(%arg0: i32) -> (i32, i32) {
    %c0_i32 = arith.constant 0 : i32
    %c0_i32_0 = arith.constant 0 : i32
    return %arg0, %c0_i32 : i32, i32
  }
  func.func @transform_6(%arg0: i32) -> (i32, i32, i32) {
    %c0_i32 = arith.constant 0 : i32
    %c0_i32_0 = arith.constant 0 : i32
    %c0_i32_1 = arith.constant 0 : i32
    return %c0_i32, %arg0, %c0_i32_0 : i32, i32, i32
  }
}

module attributes {stable_mosaic.version = 14 : i64} {
  func.func @_oroute_body(%arg0: i32, %arg1: memref<256x768xf32, #tpu.memory_space<vmem>>, %arg2: memref<256x768xf32, #tpu.memory_space<vmem>>, %arg3: memref<768x768xbf16, #tpu.memory_space<vmem>>, %arg4: memref<8x768xf32, #tpu.memory_space<vmem>>, %arg5: memref<256x768xf32, #tpu.memory_space<vmem>>, %arg6: memref<256x768xf32, #tpu.memory_space<vmem>>, %arg7: memref<256x8xf32, #tpu.memory_space<vmem>>) attributes {dimension_semantics = [#tpu.dimension_semantics<arbitrary>], iteration_bounds = array<i64: 8>, scalar_prefetch = 0 : i64, scratch_operands = 0 : i64, tpu.core_type = #tpu.core_type<tc>, window_params = [{transform_indices = @transform_0, window_bounds = array<i64: 256, 768>}, {transform_indices = @transform_1, window_bounds = array<i64: 256, 768>}, {pipeline_mode = #tpu.pipeline_mode<synchronous>, transform_indices = @transform_2, window_bounds = array<i64: 768, 768>}, {pipeline_mode = #tpu.pipeline_mode<synchronous>, transform_indices = @transform_3, window_bounds = array<i64: 8, 768>}, {transform_indices = @transform_4, window_bounds = array<i64: 256, 768>}, {transform_indices = @transform_5, window_bounds = array<i64: 256, 768>}, {transform_indices = @transform_6, window_bounds = array<i64: 256, 8>}]} {
    %get3A = arith.constant 0 : index
    %get3A_0 = arith.constant 0 : index
    %get3A_1 = vector.load %arg1[%get3A, %get3A_0] : memref<256x768xf32, #tpu.memory_space<vmem>>, vector<256x768xf32>
    %convert_element_type3A = arith.truncf %get3A_1 : vector<256x768xf32> to vector<256x768xbf16>
    %get3A_2 = arith.constant 0 : index
    %get3A_3 = arith.constant 0 : index
    %get3A_4 = vector.load %arg3[%get3A_2, %get3A_3] : memref<768x768xbf16, #tpu.memory_space<vmem>>, vector<768x768xbf16>
    %dot_general3A = arith.constant dense<0.000000e+00> : vector<256x768xf32>
    %dot_general3A_5 = tpu.matmul %convert_element_type3A, %get3A_4, %dot_general3A {dimension_numbers = #tpu.dot_dimension_numbers<[1], [1], [0], [0], [0, 0, 1, 0], [], []>, transpose_lhs_hint = false} : vector<256x768xbf16>, vector<768x768xbf16>, vector<256x768xf32> -> vector<256x768xf32>
    %get3A_6 = arith.constant 0 : index
    %get3A_7 = arith.constant 0 : index
    %get3A_8 = vector.load %arg2[%get3A_6, %get3A_7] : memref<256x768xf32, #tpu.memory_space<vmem>>, vector<256x768xf32>
    %add3A = arith.addf %dot_general3A_5, %get3A_8 : vector<256x768xf32>
    %swap3A = arith.constant 0 : index
    %swap3A_9 = arith.constant 0 : index
    %swap3A_10 = vector.load %arg5[%swap3A, %swap3A_9] : memref<256x768xf32, #tpu.memory_space<vmem>>, vector<256x768xf32>
    tpu.vector_store %arg5[%swap3A, %swap3A_9], %add3A {strides = array<i32>} : memref<256x768xf32, #tpu.memory_space<vmem>>, vector<256x768xf32>,
    %mul3A = arith.mulf %add3A, %add3A : vector<256x768xf32>
    %reduce_sum3A = arith.constant dense<0.000000e+00> : vector<256xf32>
    %reduce_sum3A_11 = vector.multi_reduction <add>, %mul3A, %reduce_sum3A [1] : vector<256x768xf32> to vector<256xf32>
    %broadcast_in_dim3A = vector.shape_cast %reduce_sum3A_11 : vector<256xf32> to vector<256x1xf32>
    %div3A = arith.constant 7.680000e+02 : f32
    %div3A_12 = vector.broadcast %div3A : f32 to vector<256x1xf32>
    %div3A_13 = arith.divf %broadcast_in_dim3A, %div3A_12 : vector<256x1xf32>
    %add3A_14 = arith.constant 9.99999997E-7 : f32
    %add3A_15 = vector.broadcast %add3A_14 : f32 to vector<256x1xf32>
    %add3A_16 = arith.addf %div3A_13, %add3A_15 : vector<256x1xf32>
    %rsqrt3A = math.rsqrt %add3A_16 : vector<256x1xf32>
    %mul3A_17 = vector.broadcast %rsqrt3A : vector<256x1xf32> to vector<256x768xf32>
    %mul3A_18 = arith.mulf %add3A, %mul3A_17 : vector<256x768xf32>
    %swap3A_19 = arith.constant 0 : index
    %swap3A_20 = arith.constant 0 : index
    %swap3A_21 = vector.load %arg6[%swap3A_19, %swap3A_20] : memref<256x768xf32, #tpu.memory_space<vmem>>, vector<256x768xf32>
    tpu.vector_store %arg6[%swap3A_19, %swap3A_20], %mul3A_18 {strides = array<i32>} : memref<256x768xf32, #tpu.memory_space<vmem>>, vector<256x768xf32>,
    %get3A_22 = arith.constant 0 : index
    %get3A_23 = arith.constant 0 : index
    %get3A_24 = vector.load %arg4[%get3A_22, %get3A_23] : memref<8x768xf32, #tpu.memory_space<vmem>>, vector<8x768xf32>
    %dot_general3A_25 = arith.constant dense<0.000000e+00> : vector<256x8xf32>
    %dot_general3A_26 = tpu.matmul %mul3A_18, %get3A_24, %dot_general3A_25 {dimension_numbers = #tpu.dot_dimension_numbers<[1], [1], [0], [0], [0, 0, 1, 0], [], []>, transpose_lhs_hint = false} : vector<256x768xf32>, vector<8x768xf32>, vector<256x8xf32> -> vector<256x8xf32>
    %reduce_max3A = arith.constant dense<0xFF800000> : vector<256xf32>
    %reduce_max3A_27 = vector.multi_reduction <maximumf>, %dot_general3A_26, %reduce_max3A [1] : vector<256x8xf32> to vector<256xf32>
    %broadcast_in_dim3A_28 = vector.shape_cast %reduce_max3A_27 : vector<256xf32> to vector<256x1xf32>
    %sub3A = vector.broadcast %broadcast_in_dim3A_28 : vector<256x1xf32> to vector<256x8xf32>
    %sub3A_29 = arith.subf %dot_general3A_26, %sub3A : vector<256x8xf32>
    %exp3A = math.exp %sub3A_29 : vector<256x8xf32>
    %reduce_sum3A_30 = arith.constant dense<0.000000e+00> : vector<256xf32>
    %reduce_sum3A_31 = vector.multi_reduction <add>, %exp3A, %reduce_sum3A_30 [1] : vector<256x8xf32> to vector<256xf32>
    %broadcast_in_dim3A_32 = vector.shape_cast %reduce_sum3A_31 : vector<256xf32> to vector<256x1xf32>
    %div3A_33 = vector.broadcast %broadcast_in_dim3A_32 : vector<256x1xf32> to vector<256x8xf32>
    %div3A_34 = arith.divf %exp3A, %div3A_33 : vector<256x8xf32>
    %iota3A = tpu.iota {dimensions = array<i32: 1>} : vector<256x8xi32>
    %reduce_max3A_35 = arith.constant dense<0xFF800000> : vector<256xf32>
    %reduce_max3A_36 = vector.multi_reduction <maximumf>, %div3A_34, %reduce_max3A_35 [1] : vector<256x8xf32> to vector<256xf32>
    %broadcast_in_dim3A_37 = vector.shape_cast %reduce_max3A_36 : vector<256xf32> to vector<256x1xf32>
    %eq3A = vector.broadcast %broadcast_in_dim3A_37 : vector<256x1xf32> to vector<256x8xf32>
    %eq3A_38 = arith.cmpf oeq, %div3A_34, %eq3A : vector<256x8xf32>
    %jit3A = arith.constant 8 : i32
    %broadcast_in_dim3A_39 = vector.broadcast %jit3A : i32 to vector<256x8xi32>
    %select_n3A = arith.select %eq3A_38, %iota3A, %broadcast_in_dim3A_39 : vector<256x8xi1>, vector<256x8xi32>
    %reduce_min3A = arith.constant dense<2147483647> : vector<256xi32>
    %reduce_min3A_40 = vector.multi_reduction <minsi>, %select_n3A, %reduce_min3A [1] : vector<256x8xi32> to vector<256xi32>
    %broadcast_in_dim3A_41 = vector.shape_cast %reduce_min3A_40 : vector<256xi32> to vector<256x1xi32>
    %eq3A_42 = vector.broadcast %broadcast_in_dim3A_41 : vector<256x1xi32> to vector<256x8xi32>
    %eq3A_43 = arith.cmpi eq, %iota3A, %eq3A_42 : vector<256x8xi32>
    %jit3A_44 = arith.constant 0xFF800000 : f32
    %broadcast_in_dim3A_45 = vector.broadcast %jit3A_44 : f32 to vector<256x8xf32>
    %select_n3A_46 = arith.select %eq3A_43, %broadcast_in_dim3A_45, %div3A_34 : vector<256x8xi1>, vector<256x8xf32>
    %reduce_max3A_47 = arith.constant dense<0xFF800000> : vector<256xf32>
    %reduce_max3A_48 = vector.multi_reduction <maximumf>, %select_n3A_46, %reduce_max3A_47 [1] : vector<256x8xf32> to vector<256xf32>
    %broadcast_in_dim3A_49 = vector.shape_cast %reduce_max3A_48 : vector<256xf32> to vector<256x1xf32>
    %eq3A_50 = vector.broadcast %broadcast_in_dim3A_49 : vector<256x1xf32> to vector<256x8xf32>
    %eq3A_51 = arith.cmpf oeq, %div3A_34, %eq3A_50 : vector<256x8xf32>
    %ne3A = vector.broadcast %broadcast_in_dim3A_41 : vector<256x1xi32> to vector<256x8xi32>
    %ne3A_52 = arith.cmpi ne, %iota3A, %ne3A : vector<256x8xi32>
    %and3A = arith.andi %eq3A_51, %ne3A_52 : vector<256x8xi1>
    %jit3A_53 = arith.constant 8 : i32
    %broadcast_in_dim3A_54 = vector.broadcast %jit3A_53 : i32 to vector<256x8xi32>
    %select_n3A_55 = arith.select %and3A, %iota3A, %broadcast_in_dim3A_54 : vector<256x8xi1>, vector<256x8xi32>
    %reduce_min3A_56 = arith.constant dense<2147483647> : vector<256xi32>
    %reduce_min3A_57 = vector.multi_reduction <minsi>, %select_n3A_55, %reduce_min3A_56 [1] : vector<256x8xi32> to vector<256xi32>
    %broadcast_in_dim3A_58 = vector.shape_cast %reduce_min3A_57 : vector<256xi32> to vector<256x1xi32>
    %add3A_59 = arith.addf %broadcast_in_dim3A_37, %broadcast_in_dim3A_49 : vector<256x1xf32>
    %div3A_60 = arith.divf %broadcast_in_dim3A_37, %add3A_59 : vector<256x1xf32>
    %div3A_61 = arith.divf %broadcast_in_dim3A_49, %add3A_59 : vector<256x1xf32>
    %eq3A_62 = arith.constant 0 : i32
    %eq3A_63 = vector.broadcast %eq3A_62 : i32 to vector<256x8xi32>
    %eq3A_64 = arith.cmpi eq, %iota3A, %eq3A_63 : vector<256x8xi32>
    %convert_element_type3A_65 = arith.sitofp %broadcast_in_dim3A_41 : vector<256x1xi32> to vector<256x1xf32>
    %eq3A_66 = arith.constant 1 : i32
    %eq3A_67 = vector.broadcast %eq3A_66 : i32 to vector<256x8xi32>
    %eq3A_68 = arith.cmpi eq, %iota3A, %eq3A_67 : vector<256x8xi32>
    %convert_element_type3A_69 = arith.sitofp %broadcast_in_dim3A_58 : vector<256x1xi32> to vector<256x1xf32>
    %eq3A_70 = arith.constant 2 : i32
    %eq3A_71 = vector.broadcast %eq3A_70 : i32 to vector<256x8xi32>
    %eq3A_72 = arith.cmpi eq, %iota3A, %eq3A_71 : vector<256x8xi32>
    %eq3A_73 = arith.constant 3 : i32
    %eq3A_74 = vector.broadcast %eq3A_73 : i32 to vector<256x8xi32>
    %eq3A_75 = arith.cmpi eq, %iota3A, %eq3A_74 : vector<256x8xi32>
    %jit3A_76 = arith.constant 0.000000e+00 : f32
    %broadcast_in_dim3A_77 = vector.shape_cast %div3A_61 : vector<256x1xf32> to vector<256x1xf32>
    %broadcast_in_dim3A_78 = vector.broadcast %broadcast_in_dim3A_77 : vector<256x1xf32> to vector<256x8xf32>
    %broadcast_in_dim3A_79 = vector.broadcast %jit3A_76 : f32 to vector<256x8xf32>
    %select_n3A_80 = arith.select %eq3A_75, %broadcast_in_dim3A_78, %broadcast_in_dim3A_79 : vector<256x8xi1>, vector<256x8xf32>
    %broadcast_in_dim3A_81 = vector.shape_cast %div3A_60 : vector<256x1xf32> to vector<256x1xf32>
    %broadcast_in_dim3A_82 = vector.broadcast %broadcast_in_dim3A_81 : vector<256x1xf32> to vector<256x8xf32>
    %select_n3A_83 = arith.select %eq3A_72, %broadcast_in_dim3A_82, %select_n3A_80 : vector<256x8xi1>, vector<256x8xf32>
    %broadcast_in_dim3A_84 = vector.shape_cast %convert_element_type3A_69 : vector<256x1xf32> to vector<256x1xf32>
    %broadcast_in_dim3A_85 = vector.broadcast %broadcast_in_dim3A_84 : vector<256x1xf32> to vector<256x8xf32>
    %select_n3A_86 = arith.select %eq3A_68, %broadcast_in_dim3A_85, %select_n3A_83 : vector<256x8xi1>, vector<256x8xf32>
    %broadcast_in_dim3A_87 = vector.shape_cast %convert_element_type3A_65 : vector<256x1xf32> to vector<256x1xf32>
    %broadcast_in_dim3A_88 = vector.broadcast %broadcast_in_dim3A_87 : vector<256x1xf32> to vector<256x8xf32>
    %select_n3A_89 = arith.select %eq3A_64, %broadcast_in_dim3A_88, %select_n3A_86 : vector<256x8xi1>, vector<256x8xf32>
    %swap3A_90 = arith.constant 0 : index
    %swap3A_91 = arith.constant 0 : index
    %swap3A_92 = vector.load %arg7[%swap3A_90, %swap3A_91] : memref<256x8xf32, #tpu.memory_space<vmem>>, vector<256x8xf32>
    tpu.vector_store %arg7[%swap3A_90, %swap3A_91], %select_n3A_89 {strides = array<i32>} : memref<256x8xf32, #tpu.memory_space<vmem>>, vector<256x8xf32>,
    return
  }
  func.func @transform_0(%arg0: i32) -> (i32, i32) {
    %c0_i32 = arith.constant 0 : i32
    %c0_i32_0 = arith.constant 0 : i32
    return %arg0, %c0_i32 : i32, i32
  }
  func.func @transform_1(%arg0: i32) -> (i32, i32) {
    %c0_i32 = arith.constant 0 : i32
    %c0_i32_0 = arith.constant 0 : i32
    return %arg0, %c0_i32 : i32, i32
  }
  func.func @transform_2(%arg0: i32) -> (i32, i32) {
    %c0_i32 = arith.constant 0 : i32
    %c0_i32_0 = arith.constant 0 : i32
    %c0_i32_1 = arith.constant 0 : i32
    return %c0_i32, %c0_i32_0 : i32, i32
  }
  func.func @transform_3(%arg0: i32) -> (i32, i32) {
    %c0_i32 = arith.constant 0 : i32
    %c0_i32_0 = arith.constant 0 : i32
    %c0_i32_1 = arith.constant 0 : i32
    return %c0_i32, %c0_i32_0 : i32, i32
  }
  func.func @transform_4(%arg0: i32) -> (i32, i32) {
    %c0_i32 = arith.constant 0 : i32
    %c0_i32_0 = arith.constant 0 : i32
    return %arg0, %c0_i32 : i32, i32
  }
  func.func @transform_5(%arg0: i32) -> (i32, i32) {
    %c0_i32 = arith.constant 0 : i32
    %c0_i32_0 = arith.constant 0 : i32
    return %arg0, %c0_i32 : i32, i32
  }
  func.func @transform_6(%arg0: i32) -> (i32, i32) {
    %c0_i32 = arith.constant 0 : i32
    %c0_i32_0 = arith.constant 0 : i32
    return %arg0, %c0_i32 : i32, i32
  }
}

module attributes {stable_mosaic.version = 14 : i64} {
  func.func @_route_meta_body(%arg0: memref<2048x8xf32, #tpu.memory_space<vmem>>, %arg1: memref<2048x8xi32, #tpu.memory_space<vmem>>, %arg2: memref<64x8xi32, #tpu.memory_space<vmem>>) attributes {dimension_semantics = [], scalar_prefetch = 0 : i64, scratch_operands = 0 : i64, tpu.core_type = #tpu.core_type<tc>} {
    %get3A = arith.constant 0 : index
    %get3A_0 = arith.constant 0 : index
    %get3A_1 = vector.load %arg0[%get3A, %get3A_0] : memref<2048x8xf32, #tpu.memory_space<vmem>>, vector<2048x8xf32>
    %slice3A = vector.extract_strided_slice %get3A_1 {offsets = [0, 0], sizes = [2048, 1], strides = [1, 1]} : vector<2048x8xf32> to vector<2048x1xf32>
    %convert_element_type3A = arith.fptosi %slice3A : vector<2048x1xf32> to vector<2048x1xi32>
    %slice3A_2 = vector.extract_strided_slice %get3A_1 {offsets = [0, 1], sizes = [2048, 1], strides = [1, 1]} : vector<2048x8xf32> to vector<2048x1xf32>
    %convert_element_type3A_3 = arith.fptosi %slice3A_2 : vector<2048x1xf32> to vector<2048x1xi32>
    %iota3A = tpu.iota {dimensions = array<i32: 1>} : vector<2048x8xi32>
    %eq3A = vector.broadcast %convert_element_type3A : vector<2048x1xi32> to vector<2048x8xi32>
    %eq3A_4 = arith.cmpi eq, %iota3A, %eq3A : vector<2048x8xi32>
    %convert_element_type3A_5 = arith.extui %eq3A_4 : vector<2048x8xi1> to vector<2048x8xi32>
    %eq3A_6 = vector.broadcast %convert_element_type3A_3 : vector<2048x1xi32> to vector<2048x8xi32>
    %eq3A_7 = arith.cmpi eq, %iota3A, %eq3A_6 : vector<2048x8xi32>
    %convert_element_type3A_8 = arith.extui %eq3A_7 : vector<2048x8xi1> to vector<2048x8xi32>
    %add3A = arith.addi %convert_element_type3A_5, %convert_element_type3A_8 : vector<2048x8xi32>
    %broadcast_in_dim3A = arith.constant 0 : i32
    %broadcast_in_dim3A_9 = vector.broadcast %broadcast_in_dim3A : i32 to vector<1x8xi32>
    %slice3A_10 = vector.extract_strided_slice %add3A {offsets = [0, 0], sizes = [2047, 8], strides = [1, 1]} : vector<2048x8xi32> to vector<2047x8xi32>
    %concatenate3A = tpu.concatenate %broadcast_in_dim3A_9, %slice3A_10 in 0 : vector<1x8xi32>, vector<2047x8xi32> -> vector<2048x8xi32>
    %add3A_11 = arith.addi %add3A, %concatenate3A : vector<2048x8xi32>
    %broadcast_in_dim3A_12 = arith.constant 0 : i32
    %broadcast_in_dim3A_13 = vector.broadcast %broadcast_in_dim3A_12 : i32 to vector<2x8xi32>
    %slice3A_14 = vector.extract_strided_slice %add3A_11 {offsets = [0, 0], sizes = [2046, 8], strides = [1, 1]} : vector<2048x8xi32> to vector<2046x8xi32>
    %concatenate3A_15 = tpu.concatenate %broadcast_in_dim3A_13, %slice3A_14 in 0 : vector<2x8xi32>, vector<2046x8xi32> -> vector<2048x8xi32>
    %add3A_16 = arith.addi %add3A_11, %concatenate3A_15 : vector<2048x8xi32>
    %broadcast_in_dim3A_17 = arith.constant 0 : i32
    %broadcast_in_dim3A_18 = vector.broadcast %broadcast_in_dim3A_17 : i32 to vector<4x8xi32>
    %slice3A_19 = vector.extract_strided_slice %add3A_16 {offsets = [0, 0], sizes = [2044, 8], strides = [1, 1]} : vector<2048x8xi32> to vector<2044x8xi32>
    %concatenate3A_20 = tpu.concatenate %broadcast_in_dim3A_18, %slice3A_19 in 0 : vector<4x8xi32>, vector<2044x8xi32> -> vector<2048x8xi32>
    %add3A_21 = arith.addi %add3A_16, %concatenate3A_20 : vector<2048x8xi32>
    %broadcast_in_dim3A_22 = arith.constant 0 : i32
    %broadcast_in_dim3A_23 = vector.broadcast %broadcast_in_dim3A_22 : i32 to vector<8x8xi32>
    %slice3A_24 = vector.extract_strided_slice %add3A_21 {offsets = [0, 0], sizes = [2040, 8], strides = [1, 1]} : vector<2048x8xi32> to vector<2040x8xi32>
    %concatenate3A_25 = tpu.concatenate %broadcast_in_dim3A_23, %slice3A_24 in 0 : vector<8x8xi32>, vector<2040x8xi32> -> vector<2048x8xi32>
    %add3A_26 = arith.addi %add3A_21, %concatenate3A_25 : vector<2048x8xi32>
    %broadcast_in_dim3A_27 = arith.constant 0 : i32
    %broadcast_in_dim3A_28 = vector.broadcast %broadcast_in_dim3A_27 : i32 to vector<16x8xi32>
    %slice3A_29 = vector.extract_strided_slice %add3A_26 {offsets = [0, 0], sizes = [2032, 8], strides = [1, 1]} : vector<2048x8xi32> to vector<2032x8xi32>
    %concatenate3A_30 = tpu.concatenate %broadcast_in_dim3A_28, %slice3A_29 in 0 : vector<16x8xi32>, vector<2032x8xi32> -> vector<2048x8xi32>
    %add3A_31 = arith.addi %add3A_26, %concatenate3A_30 : vector<2048x8xi32>
    %broadcast_in_dim3A_32 = arith.constant 0 : i32
    %broadcast_in_dim3A_33 = vector.broadcast %broadcast_in_dim3A_32 : i32 to vector<32x8xi32>
    %slice3A_34 = vector.extract_strided_slice %add3A_31 {offsets = [0, 0], sizes = [2016, 8], strides = [1, 1]} : vector<2048x8xi32> to vector<2016x8xi32>
    %concatenate3A_35 = tpu.concatenate %broadcast_in_dim3A_33, %slice3A_34 in 0 : vector<32x8xi32>, vector<2016x8xi32> -> vector<2048x8xi32>
    %add3A_36 = arith.addi %add3A_31, %concatenate3A_35 : vector<2048x8xi32>
    %broadcast_in_dim3A_37 = arith.constant 0 : i32
    %broadcast_in_dim3A_38 = vector.broadcast %broadcast_in_dim3A_37 : i32 to vector<64x8xi32>
    %slice3A_39 = vector.extract_strided_slice %add3A_36 {offsets = [0, 0], sizes = [1984, 8], strides = [1, 1]} : vector<2048x8xi32> to vector<1984x8xi32>
    %concatenate3A_40 = tpu.concatenate %broadcast_in_dim3A_38, %slice3A_39 in 0 : vector<64x8xi32>, vector<1984x8xi32> -> vector<2048x8xi32>
    %add3A_41 = arith.addi %add3A_36, %concatenate3A_40 : vector<2048x8xi32>
    %broadcast_in_dim3A_42 = arith.constant 0 : i32
    %broadcast_in_dim3A_43 = vector.broadcast %broadcast_in_dim3A_42 : i32 to vector<128x8xi32>
    %slice3A_44 = vector.extract_strided_slice %add3A_41 {offsets = [0, 0], sizes = [1920, 8], strides = [1, 1]} : vector<2048x8xi32> to vector<1920x8xi32>
    %concatenate3A_45 = tpu.concatenate %broadcast_in_dim3A_43, %slice3A_44 in 0 : vector<128x8xi32>, vector<1920x8xi32> -> vector<2048x8xi32>
    %add3A_46 = arith.addi %add3A_41, %concatenate3A_45 : vector<2048x8xi32>
    %broadcast_in_dim3A_47 = arith.constant 0 : i32
    %broadcast_in_dim3A_48 = vector.broadcast %broadcast_in_dim3A_47 : i32 to vector<256x8xi32>
    %slice3A_49 = vector.extract_strided_slice %add3A_46 {offsets = [0, 0], sizes = [1792, 8], strides = [1, 1]} : vector<2048x8xi32> to vector<1792x8xi32>
    %concatenate3A_50 = tpu.concatenate %broadcast_in_dim3A_48, %slice3A_49 in 0 : vector<256x8xi32>, vector<1792x8xi32> -> vector<2048x8xi32>
    %add3A_51 = arith.addi %add3A_46, %concatenate3A_50 : vector<2048x8xi32>
    %broadcast_in_dim3A_52 = arith.constant 0 : i32
    %broadcast_in_dim3A_53 = vector.broadcast %broadcast_in_dim3A_52 : i32 to vector<512x8xi32>
    %slice3A_54 = vector.extract_strided_slice %add3A_51 {offsets = [0, 0], sizes = [1536, 8], strides = [1, 1]} : vector<2048x8xi32> to vector<1536x8xi32>
    %concatenate3A_55 = tpu.concatenate %broadcast_in_dim3A_53, %slice3A_54 in 0 : vector<512x8xi32>, vector<1536x8xi32> -> vector<2048x8xi32>
    %add3A_56 = arith.addi %add3A_51, %concatenate3A_55 : vector<2048x8xi32>
    %broadcast_in_dim3A_57 = arith.constant 0 : i32
    %broadcast_in_dim3A_58 = vector.broadcast %broadcast_in_dim3A_57 : i32 to vector<1024x8xi32>
    %slice3A_59 = vector.extract_strided_slice %add3A_56 {offsets = [0, 0], sizes = [1024, 8], strides = [1, 1]} : vector<2048x8xi32> to vector<1024x8xi32>
    %concatenate3A_60 = tpu.concatenate %broadcast_in_dim3A_58, %slice3A_59 in 0 : vector<1024x8xi32>, vector<1024x8xi32> -> vector<2048x8xi32>
    %add3A_61 = arith.addi %add3A_56, %concatenate3A_60 : vector<2048x8xi32>
    %sub3A = arith.subi %add3A_61, %add3A : vector<2048x8xi32>
    %slice3A_62 = vector.extract_strided_slice %add3A_61 {offsets = [2047, 0], sizes = [1, 8], strides = [1, 1]} : vector<2048x8xi32> to vector<1x8xi32>
    %add3A_63 = arith.constant 256 : i32
    %add3A_64 = vector.broadcast %add3A_63 : i32 to vector<1x8xi32>
    %add3A_65 = arith.addi %slice3A_62, %add3A_64 : vector<1x8xi32>
    %sub3A_66 = arith.constant 1 : i32
    %sub3A_67 = vector.broadcast %sub3A_66 : i32 to vector<1x8xi32>
    %sub3A_68 = arith.subi %add3A_65, %sub3A_67 : vector<1x8xi32>
    %jit3A = arith.constant 256 : i32
    %div3A = vector.broadcast %jit3A : i32 to vector<1x8xi32>
    %div3A_69 = arith.divsi %sub3A_68, %div3A : vector<1x8xi32>
    %sign3A = arith.constant 0 : i32
    %sign3A_70 = vector.broadcast %sign3A : i32 to vector<1x8xi32>
    %sign3A_71 = arith.cmpi sgt, %sub3A_68, %sign3A_70 : vector<1x8xi32>
    %sign3A_72 = arith.extui %sign3A_71 : vector<1x8xi1> to vector<1x8xi32>
    %sign3A_73 = arith.constant 0 : i32
    %sign3A_74 = vector.broadcast %sign3A_73 : i32 to vector<1x8xi32>
    %sign3A_75 = arith.cmpi slt, %sub3A_68, %sign3A_74 : vector<1x8xi32>
    %sign3A_76 = arith.extui %sign3A_75 : vector<1x8xi1> to vector<1x8xi32>
    %sign3A_77 = arith.subi %sign3A_72, %sign3A_76 : vector<1x8xi32>
    %sign3A_78 = arith.constant 0 : i32
    %sign3A_79 = arith.cmpi sgt, %jit3A, %sign3A_78 : i32
    %sign3A_80 = arith.extui %sign3A_79 : i1 to i32
    %sign3A_81 = arith.constant 0 : i32
    %sign3A_82 = arith.cmpi slt, %jit3A, %sign3A_81 : i32
    %sign3A_83 = arith.extui %sign3A_82 : i1 to i32
    %sign3A_84 = arith.subi %sign3A_80, %sign3A_83 : i32
    %ne3A = vector.broadcast %sign3A_84 : i32 to vector<1x8xi32>
    %ne3A_85 = arith.cmpi ne, %sign3A_77, %ne3A : vector<1x8xi32>
    %rem3A = vector.broadcast %jit3A : i32 to vector<1x8xi32>
    %rem3A_86 = arith.remsi %sub3A_68, %rem3A : vector<1x8xi32>
    %ne3A_87 = arith.constant 0 : i32
    %ne3A_88 = vector.broadcast %ne3A_87 : i32 to vector<1x8xi32>
    %ne3A_89 = arith.cmpi ne, %rem3A_86, %ne3A_88 : vector<1x8xi32>
    %and3A = arith.andi %ne3A_85, %ne3A_89 : vector<1x8xi1>
    %sub3A_90 = arith.constant 1 : i32
    %sub3A_91 = vector.broadcast %sub3A_90 : i32 to vector<1x8xi32>
    %sub3A_92 = arith.subi %div3A_69, %sub3A_91 : vector<1x8xi32>
    %select_n3A = arith.select %and3A, %sub3A_92, %div3A_69 : vector<1x8xi1>, vector<1x8xi32>
    %mul3A = arith.constant 256 : i32
    %mul3A_93 = vector.broadcast %mul3A : i32 to vector<1x8xi32>
    %mul3A_94 = arith.muli %select_n3A, %mul3A_93 : vector<1x8xi32>
    %broadcast_in_dim3A_95 = arith.constant 0 : i32
    %broadcast_in_dim3A_96 = vector.broadcast %broadcast_in_dim3A_95 : i32 to vector<1x1xi32>
    %slice3A_97 = vector.extract_strided_slice %mul3A_94 {offsets = [0, 0], sizes = [1, 7], strides = [1, 1]} : vector<1x8xi32> to vector<1x7xi32>
    %concatenate3A_98 = tpu.concatenate %broadcast_in_dim3A_96, %slice3A_97 in 1 : vector<1x1xi32>, vector<1x7xi32> -> vector<1x8xi32>
    %add3A_99 = arith.addi %mul3A_94, %concatenate3A_98 : vector<1x8xi32>
    %broadcast_in_dim3A_100 = arith.constant 0 : i32
    %broadcast_in_dim3A_101 = vector.broadcast %broadcast_in_dim3A_100 : i32 to vector<1x2xi32>
    %slice3A_102 = vector.extract_strided_slice %add3A_99 {offsets = [0, 0], sizes = [1, 6], strides = [1, 1]} : vector<1x8xi32> to vector<1x6xi32>
    %concatenate3A_103 = tpu.concatenate %broadcast_in_dim3A_101, %slice3A_102 in 1 : vector<1x2xi32>, vector<1x6xi32> -> vector<1x8xi32>
    %add3A_104 = arith.addi %add3A_99, %concatenate3A_103 : vector<1x8xi32>
    %broadcast_in_dim3A_105 = arith.constant 0 : i32
    %broadcast_in_dim3A_106 = vector.broadcast %broadcast_in_dim3A_105 : i32 to vector<1x4xi32>
    %slice3A_107 = vector.extract_strided_slice %add3A_104 {offsets = [0, 0], sizes = [1, 4], strides = [1, 1]} : vector<1x8xi32> to vector<1x4xi32>
    %concatenate3A_108 = tpu.concatenate %broadcast_in_dim3A_106, %slice3A_107 in 1 : vector<1x4xi32>, vector<1x4xi32> -> vector<1x8xi32>
    %add3A_109 = arith.addi %add3A_104, %concatenate3A_108 : vector<1x8xi32>
    %sub3A_110 = arith.subi %add3A_109, %mul3A_94 : vector<1x8xi32>
    %mul3A_111 = arith.muli %sub3A, %convert_element_type3A_5 : vector<2048x8xi32>
    %reduce_sum3A = arith.constant dense<0> : vector<2048xi32>
    %reduce_sum3A_112 = vector.multi_reduction <add>, %mul3A_111, %reduce_sum3A [1] : vector<2048x8xi32> to vector<2048xi32>
    %broadcast_in_dim3A_113 = vector.shape_cast %reduce_sum3A_112 : vector<2048xi32> to vector<2048x1xi32>
    %mul3A_114 = vector.broadcast %sub3A_110 : vector<1x8xi32> to vector<2048x8xi32>
    %mul3A_115 = arith.muli %mul3A_114, %convert_element_type3A_5 : vector<2048x8xi32>
    %reduce_sum3A_116 = arith.constant dense<0> : vector<2048xi32>
    %reduce_sum3A_117 = vector.multi_reduction <add>, %mul3A_115, %reduce_sum3A_116 [1] : vector<2048x8xi32> to vector<2048xi32>
    %broadcast_in_dim3A_118 = vector.shape_cast %reduce_sum3A_117 : vector<2048xi32> to vector<2048x1xi32>
    %add3A_119 = arith.addi %broadcast_in_dim3A_113, %broadcast_in_dim3A_118 : vector<2048x1xi32>
    %add3A_120 = arith.addi %sub3A, %convert_element_type3A_5 : vector<2048x8xi32>
    %mul3A_121 = arith.muli %add3A_120, %convert_element_type3A_8 : vector<2048x8xi32>
    %reduce_sum3A_122 = arith.constant dense<0> : vector<2048xi32>
    %reduce_sum3A_123 = vector.multi_reduction <add>, %mul3A_121, %reduce_sum3A_122 [1] : vector<2048x8xi32> to vector<2048xi32>
    %broadcast_in_dim3A_124 = vector.shape_cast %reduce_sum3A_123 : vector<2048xi32> to vector<2048x1xi32>
    %mul3A_125 = vector.broadcast %sub3A_110 : vector<1x8xi32> to vector<2048x8xi32>
    %mul3A_126 = arith.muli %mul3A_125, %convert_element_type3A_8 : vector<2048x8xi32>
    %reduce_sum3A_127 = arith.constant dense<0> : vector<2048xi32>
    %reduce_sum3A_128 = vector.multi_reduction <add>, %mul3A_126, %reduce_sum3A_127 [1] : vector<2048x8xi32> to vector<2048xi32>
    %broadcast_in_dim3A_129 = vector.shape_cast %reduce_sum3A_128 : vector<2048xi32> to vector<2048x1xi32>
    %add3A_130 = arith.addi %broadcast_in_dim3A_124, %broadcast_in_dim3A_129 : vector<2048x1xi32>
    %eq3A_131 = arith.constant 0 : i32
    %eq3A_132 = vector.broadcast %eq3A_131 : i32 to vector<2048x8xi32>
    %eq3A_133 = arith.cmpi eq, %iota3A, %eq3A_132 : vector<2048x8xi32>
    %eq3A_134 = arith.constant 1 : i32
    %eq3A_135 = vector.broadcast %eq3A_134 : i32 to vector<2048x8xi32>
    %eq3A_136 = arith.cmpi eq, %iota3A, %eq3A_135 : vector<2048x8xi32>
    %jit3A_137 = arith.constant 0 : i32
    %broadcast_in_dim3A_138 = vector.shape_cast %add3A_130 : vector<2048x1xi32> to vector<2048x1xi32>
    %broadcast_in_dim3A_139 = vector.broadcast %broadcast_in_dim3A_138 : vector<2048x1xi32> to vector<2048x8xi32>
    %broadcast_in_dim3A_140 = vector.broadcast %jit3A_137 : i32 to vector<2048x8xi32>
    %select_n3A_141 = arith.select %eq3A_136, %broadcast_in_dim3A_139, %broadcast_in_dim3A_140 : vector<2048x8xi1>, vector<2048x8xi32>
    %broadcast_in_dim3A_142 = vector.shape_cast %add3A_119 : vector<2048x1xi32> to vector<2048x1xi32>
    %broadcast_in_dim3A_143 = vector.broadcast %broadcast_in_dim3A_142 : vector<2048x1xi32> to vector<2048x8xi32>
    %select_n3A_144 = arith.select %eq3A_133, %broadcast_in_dim3A_143, %select_n3A_141 : vector<2048x8xi1>, vector<2048x8xi32>
    %swap3A = arith.constant 0 : index
    %swap3A_145 = arith.constant 0 : index
    %swap3A_146 = vector.load %arg1[%swap3A, %swap3A_145] : memref<2048x8xi32, #tpu.memory_space<vmem>>, vector<2048x8xi32>
    tpu.vector_store %arg1[%swap3A, %swap3A_145], %select_n3A_144 {strides = array<i32>} : memref<2048x8xi32, #tpu.memory_space<vmem>>, vector<2048x8xi32>,
    %iota3A_147 = tpu.iota {dimensions = array<i32: 0>} : vector<64x8xi32>
    %mul3A_148 = arith.constant 256 : i32
    %mul3A_149 = vector.broadcast %mul3A_148 : i32 to vector<64x8xi32>
    %mul3A_150 = arith.muli %iota3A_147, %mul3A_149 : vector<64x8xi32>
    %ge3A = vector.broadcast %sub3A_110 : vector<1x8xi32> to vector<64x8xi32>
    %ge3A_151 = arith.cmpi sge, %mul3A_150, %ge3A : vector<64x8xi32>
    %convert_element_type3A_152 = arith.extui %ge3A_151 : vector<64x8xi1> to vector<64x8xi32>
    %reduce_sum3A_153 = arith.constant dense<0> : vector<64xi32>
    %reduce_sum3A_154 = vector.multi_reduction <add>, %convert_element_type3A_152, %reduce_sum3A_153 [1] : vector<64x8xi32> to vector<64xi32>
    %broadcast_in_dim3A_155 = vector.shape_cast %reduce_sum3A_154 : vector<64xi32> to vector<64x1xi32>
    %sub3A_156 = arith.constant 1 : i32
    %sub3A_157 = vector.broadcast %sub3A_156 : i32 to vector<64x1xi32>
    %sub3A_158 = arith.subi %broadcast_in_dim3A_155, %sub3A_157 : vector<64x1xi32>
    %reduce_sum3A_159 = arith.constant dense<0> : vector<1xi32>
    %reduce_sum3A_160 = vector.multi_reduction <add>, %mul3A_94, %reduce_sum3A_159 [1] : vector<1x8xi32> to vector<1xi32>
    %broadcast_in_dim3A_161 = vector.shape_cast %reduce_sum3A_160 : vector<1xi32> to vector<1x1xi32>
    %jit3A_162 = arith.constant 256 : i32
    %div3A_163 = vector.broadcast %jit3A_162 : i32 to vector<1x1xi32>
    %div3A_164 = arith.divsi %broadcast_in_dim3A_161, %div3A_163 : vector<1x1xi32>
    %sign3A_165 = arith.constant 0 : i32
    %sign3A_166 = vector.broadcast %sign3A_165 : i32 to vector<1x1xi32>
    %sign3A_167 = arith.cmpi sgt, %broadcast_in_dim3A_161, %sign3A_166 : vector<1x1xi32>
    %sign3A_168 = arith.extui %sign3A_167 : vector<1x1xi1> to vector<1x1xi32>
    %sign3A_169 = arith.constant 0 : i32
    %sign3A_170 = vector.broadcast %sign3A_169 : i32 to vector<1x1xi32>
    %sign3A_171 = arith.cmpi slt, %broadcast_in_dim3A_161, %sign3A_170 : vector<1x1xi32>
    %sign3A_172 = arith.extui %sign3A_171 : vector<1x1xi1> to vector<1x1xi32>
    %sign3A_173 = arith.subi %sign3A_168, %sign3A_172 : vector<1x1xi32>
    %sign3A_174 = arith.constant 0 : i32
    %sign3A_175 = arith.cmpi sgt, %jit3A_162, %sign3A_174 : i32
    %sign3A_176 = arith.extui %sign3A_175 : i1 to i32
    %sign3A_177 = arith.constant 0 : i32
    %sign3A_178 = arith.cmpi slt, %jit3A_162, %sign3A_177 : i32
    %sign3A_179 = arith.extui %sign3A_178 : i1 to i32
    %sign3A_180 = arith.subi %sign3A_176, %sign3A_179 : i32
    %ne3A_181 = vector.broadcast %sign3A_180 : i32 to vector<1x1xi32>
    %ne3A_182 = arith.cmpi ne, %sign3A_173, %ne3A_181 : vector<1x1xi32>
    %rem3A_183 = vector.broadcast %jit3A_162 : i32 to vector<1x1xi32>
    %rem3A_184 = arith.remsi %broadcast_in_dim3A_161, %rem3A_183 : vector<1x1xi32>
    %ne3A_185 = arith.constant 0 : i32
    %ne3A_186 = vector.broadcast %ne3A_185 : i32 to vector<1x1xi32>
    %ne3A_187 = arith.cmpi ne, %rem3A_184, %ne3A_186 : vector<1x1xi32>
    %and3A_188 = arith.andi %ne3A_182, %ne3A_187 : vector<1x1xi1>
    %sub3A_189 = arith.constant 1 : i32
    %sub3A_190 = vector.broadcast %sub3A_189 : i32 to vector<1x1xi32>
    %sub3A_191 = arith.subi %div3A_164, %sub3A_190 : vector<1x1xi32>
    %select_n3A_192 = arith.select %and3A_188, %sub3A_191, %div3A_164 : vector<1x1xi1>, vector<1x1xi32>
    %iota3A_193 = tpu.iota {dimensions = array<i32: 0>} : vector<64x1xi32>
    %lt3A = vector.broadcast %select_n3A_192 : vector<1x1xi32> to vector<64x1xi32>
    %lt3A_194 = arith.cmpi slt, %iota3A_193, %lt3A : vector<64x1xi32>
    %jit3A_195 = arith.constant 8 : i32
    %broadcast_in_dim3A_196 = vector.broadcast %jit3A_195 : i32 to vector<64x1xi32>
    %select_n3A_197 = arith.select %lt3A_194, %sub3A_158, %broadcast_in_dim3A_196 : vector<64x1xi1>, vector<64x1xi32>
    %broadcast_in_dim3A_198 = arith.constant 0 : i32
    %broadcast_in_dim3A_199 = vector.broadcast %broadcast_in_dim3A_198 : i32 to vector<64x8xi32>
    %add3A_200 = vector.broadcast %select_n3A_197 : vector<64x1xi32> to vector<64x8xi32>
    %add3A_201 = arith.addi %add3A_200, %broadcast_in_dim3A_199 : vector<64x8xi32>
    %swap3A_202 = arith.constant 0 : index
    %swap3A_203 = arith.constant 0 : index
    %swap3A_204 = vector.load %arg2[%swap3A_202, %swap3A_203] : memref<64x8xi32, #tpu.memory_space<vmem>>, vector<64x8xi32>
    tpu.vector_store %arg2[%swap3A_202, %swap3A_203], %add3A_201 {strides = array<i32>} : memref<64x8xi32, #tpu.memory_space<vmem>>, vector<64x8xi32>,
    return
  }
}

module attributes {stable_mosaic.version = 14 : i64} {
  func.func @_ffn_body(%arg0: i32, %arg1: memref<23xi32, #tpu.memory_space<smem>>, %arg2: memref<256x768xf32, #tpu.memory_space<vmem>>, %arg3: memref<1x1536x768xf32, #tpu.memory_space<vmem>>, %arg4: memref<1x1536x768xf32, #tpu.memory_space<vmem>>, %arg5: memref<1x768x1536xf32, #tpu.memory_space<vmem>>, %arg6: memref<256x768xf32, #tpu.memory_space<vmem>>) attributes {dimension_semantics = [#tpu.dimension_semantics<arbitrary>], iteration_bounds = array<i64: 23>, scalar_prefetch = 1 : i64, scratch_operands = 0 : i64, tpu.core_type = #tpu.core_type<tc>, window_params = [{transform_indices = @transform_0, window_bounds = array<i64: 256, 768>}, {transform_indices = @transform_1, window_bounds = array<i64: 1, 1536, 768>}, {transform_indices = @transform_2, window_bounds = array<i64: 1, 1536, 768>}, {transform_indices = @transform_3, window_bounds = array<i64: 1, 768, 1536>}, {transform_indices = @transform_4, window_bounds = array<i64: 256, 768>}]} {
    %get3A = arith.index_cast %arg0 : i32 to index
    %get3A_0 = memref.load %arg1[%get3A] : memref<23xi32, #tpu.memory_space<smem>>
    %lt3A = arith.constant 8 : i32
    %lt3A_1 = arith.cmpi slt, %get3A_0, %lt3A : i32
    %convert_element_type3A = arith.extui %lt3A_1 : i1 to i32
    %cond3A = arith.constant 0 : i32
    %cond3A_2 = arith.cmpi ne, %convert_element_type3A, %cond3A : i32
    scf.if %cond3A_2 {
      %get3A_3 = arith.constant 0 : index
      %get3A_4 = arith.constant 0 : index
      %get3A_5 = vector.load %arg2[%get3A_3, %get3A_4] : memref<256x768xf32, #tpu.memory_space<vmem>>, vector<256x768xf32>
      %convert_element_type3A_6 = arith.truncf %get3A_5 : vector<256x768xf32> to vector<256x768xbf16>
      %get3A_7 = arith.constant 0 : index
      %get3A_8 = arith.constant 0 : index
      %get3A_9 = arith.constant 0 : index
      %get3A_10 = vector.load %arg3[%get3A_7, %get3A_8, %get3A_9] : memref<1x1536x768xf32, #tpu.memory_space<vmem>>, vector<1x1536x768xf32>
      %get3A_11 = vector.shape_cast %get3A_10 : vector<1x1536x768xf32> to vector<1536x768xf32>
      %dot_general3A = arith.constant dense<0.000000e+00> : vector<256x1536xf32>
      %dot_general3A_12 = tpu.matmul %convert_element_type3A_6, %get3A_11, %dot_general3A {dimension_numbers = #tpu.dot_dimension_numbers<[1], [1], [0], [0], [0, 0, 1, 0], [], []>, transpose_lhs_hint = false} : vector<256x768xbf16>, vector<1536x768xf32>, vector<256x1536xf32> -> vector<256x1536xf32>
      %get3A_13 = arith.constant 0 : index
      %get3A_14 = arith.constant 0 : index
      %get3A_15 = arith.constant 0 : index
      %get3A_16 = vector.load %arg4[%get3A_13, %get3A_14, %get3A_15] : memref<1x1536x768xf32, #tpu.memory_space<vmem>>, vector<1x1536x768xf32>
      %get3A_17 = vector.shape_cast %get3A_16 : vector<1x1536x768xf32> to vector<1536x768xf32>
      %dot_general3A_18 = arith.constant dense<0.000000e+00> : vector<256x1536xf32>
      %dot_general3A_19 = tpu.matmul %convert_element_type3A_6, %get3A_17, %dot_general3A_18 {dimension_numbers = #tpu.dot_dimension_numbers<[1], [1], [0], [0], [0, 0, 1, 0], [], []>, transpose_lhs_hint = false} : vector<256x768xbf16>, vector<1536x768xf32>, vector<256x1536xf32> -> vector<256x1536xf32>
      %mul3A = arith.constant 5.000000e-01 : f32
      %mul3A_20 = vector.broadcast %mul3A : f32 to vector<256x1536xf32>
      %mul3A_21 = arith.mulf %mul3A_20, %dot_general3A_12 : vector<256x1536xf32>
      %div3A = arith.constant 1.41421354 : f32
      %div3A_22 = vector.broadcast %div3A : f32 to vector<256x1536xf32>
      %div3A_23 = arith.divf %dot_general3A_12, %div3A_22 : vector<256x1536xf32>
      %erf3A = math.erf %div3A_23 : vector<256x1536xf32>
      %add3A = arith.constant 1.000000e+00 : f32
      %add3A_24 = vector.broadcast %add3A : f32 to vector<256x1536xf32>
      %add3A_25 = arith.addf %add3A_24, %erf3A : vector<256x1536xf32>
      %mul3A_26 = arith.mulf %mul3A_21, %add3A_25 : vector<256x1536xf32>
      %mul3A_27 = arith.mulf %mul3A_26, %dot_general3A_19 : vector<256x1536xf32>
      %convert_element_type3A_28 = arith.truncf %mul3A_27 : vector<256x1536xf32> to vector<256x1536xbf16>
      %get3A_29 = arith.constant 0 : index
      %get3A_30 = arith.constant 0 : index
      %get3A_31 = arith.constant 0 : index
      %get3A_32 = vector.load %arg5[%get3A_29, %get3A_30, %get3A_31] : memref<1x768x1536xf32, #tpu.memory_space<vmem>>, vector<1x768x1536xf32>
      %get3A_33 = vector.shape_cast %get3A_32 : vector<1x768x1536xf32> to vector<768x1536xf32>
      %dot_general3A_34 = arith.constant dense<0.000000e+00> : vector<256x768xf32>
      %dot_general3A_35 = tpu.matmul %convert_element_type3A_28, %get3A_33, %dot_general3A_34 {dimension_numbers = #tpu.dot_dimension_numbers<[1], [1], [0], [0], [0, 0, 1, 0], [], []>, transpose_lhs_hint = false} : vector<256x1536xbf16>, vector<768x1536xf32>, vector<256x768xf32> -> vector<256x768xf32>
      %swap3A = arith.constant 0 : index
      %swap3A_36 = arith.constant 0 : index
      %swap3A_37 = vector.load %arg6[%swap3A, %swap3A_36] : memref<256x768xf32, #tpu.memory_space<vmem>>, vector<256x768xf32>
      tpu.vector_store %arg6[%swap3A, %swap3A_36], %dot_general3A_35 {strides = array<i32>} : memref<256x768xf32, #tpu.memory_space<vmem>>, vector<256x768xf32>,
    } else {
    }
    return
  }
  func.func @transform_0(%arg0: i32, %arg1: memref<23xi32, #tpu.memory_space<smem>>) -> (i32, i32) {
    %c0_i32 = arith.constant 0 : i32
    %c0_i32_0 = arith.constant 0 : i32
    return %arg0, %c0_i32 : i32, i32
  }
  func.func @transform_1(%arg0: i32, %arg1: memref<23xi32, #tpu.memory_space<smem>>) -> (i32, i32, i32) {
    %get3A = arith.index_cast %arg0 : i32 to index
    %get3A_0 = memref.load %arg1[%get3A] : memref<23xi32, #tpu.memory_space<smem>>
    %min3A = arith.constant 7 : i32
    %min3A_1 = arith.minsi %get3A_0, %min3A : i32
    %c0_i32 = arith.constant 0 : i32
    %c0_i32_2 = arith.constant 0 : i32
    %c0_i32_3 = arith.constant 0 : i32
    return %min3A_1, %c0_i32, %c0_i32_2 : i32, i32, i32
  }
  func.func @transform_2(%arg0: i32, %arg1: memref<23xi32, #tpu.memory_space<smem>>) -> (i32, i32, i32) {
    %get3A = arith.index_cast %arg0 : i32 to index
    %get3A_0 = memref.load %arg1[%get3A] : memref<23xi32, #tpu.memory_space<smem>>
    %min3A = arith.constant 7 : i32
    %min3A_1 = arith.minsi %get3A_0, %min3A : i32
    %c0_i32 = arith.constant 0 : i32
    %c0_i32_2 = arith.constant 0 : i32
    %c0_i32_3 = arith.constant 0 : i32
    return %min3A_1, %c0_i32, %c0_i32_2 : i32, i32, i32
  }
  func.func @transform_3(%arg0: i32, %arg1: memref<23xi32, #tpu.memory_space<smem>>) -> (i32, i32, i32) {
    %get3A = arith.index_cast %arg0 : i32 to index
    %get3A_0 = memref.load %arg1[%get3A] : memref<23xi32, #tpu.memory_space<smem>>
    %min3A = arith.constant 7 : i32
    %min3A_1 = arith.minsi %get3A_0, %min3A : i32
    %c0_i32 = arith.constant 0 : i32
    %c0_i32_2 = arith.constant 0 : i32
    %c0_i32_3 = arith.constant 0 : i32
    return %min3A_1, %c0_i32, %c0_i32_2 : i32, i32, i32
  }
  func.func @transform_4(%arg0: i32, %arg1: memref<23xi32, #tpu.memory_space<smem>>) -> (i32, i32) {
    %c0_i32 = arith.constant 0 : i32
    %c0_i32_0 = arith.constant 0 : i32
    return %arg0, %c0_i32 : i32, i32
  }
}

module attributes {stable_mosaic.version = 14 : i64} {
  func.func @_final_body(%arg0: i32, %arg1: memref<256x768xf32, #tpu.memory_space<vmem>>, %arg2: memref<256x768xf32, #tpu.memory_space<vmem>>, %arg3: memref<256x8xf32, #tpu.memory_space<vmem>>, %arg4: memref<256x768xf32, #tpu.memory_space<vmem>>, %arg5: memref<256x768xf32, #tpu.memory_space<vmem>>, %arg6: memref<1536x768xbf16, #tpu.memory_space<vmem>>, %arg7: memref<768x1536xbf16, #tpu.memory_space<vmem>>, %arg8: memref<1536x768xbf16, #tpu.memory_space<vmem>>, %arg9: memref<256x768xf32, #tpu.memory_space<vmem>>) attributes {dimension_semantics = [#tpu.dimension_semantics<arbitrary>], iteration_bounds = array<i64: 8>, scalar_prefetch = 0 : i64, scratch_operands = 0 : i64, tpu.core_type = #tpu.core_type<tc>, window_params = [{transform_indices = @transform_0, window_bounds = array<i64: 256, 768>}, {transform_indices = @transform_1, window_bounds = array<i64: 256, 768>}, {transform_indices = @transform_2, window_bounds = array<i64: 256, 8>}, {transform_indices = @transform_3, window_bounds = array<i64: 256, 768>}, {transform_indices = @transform_4, window_bounds = array<i64: 256, 768>}, {pipeline_mode = #tpu.pipeline_mode<synchronous>, transform_indices = @transform_5, window_bounds = array<i64: 1536, 768>}, {pipeline_mode = #tpu.pipeline_mode<synchronous>, transform_indices = @transform_6, window_bounds = array<i64: 768, 1536>}, {pipeline_mode = #tpu.pipeline_mode<synchronous>, transform_indices = @transform_7, window_bounds = array<i64: 1536, 768>}, {transform_indices = @transform_8, window_bounds = array<i64: 256, 768>}]} {
    %get3A = arith.constant 0 : index
    %get3A_0 = arith.constant 0 : index
    %get3A_1 = vector.load %arg1[%get3A, %get3A_0] : memref<256x768xf32, #tpu.memory_space<vmem>>, vector<256x768xf32>
    %convert_element_type3A = arith.truncf %get3A_1 : vector<256x768xf32> to vector<256x768xbf16>
    %get3A_2 = arith.constant 0 : index
    %get3A_3 = arith.constant 0 : index
    %get3A_4 = vector.load %arg6[%get3A_2, %get3A_3] : memref<1536x768xbf16, #tpu.memory_space<vmem>>, vector<1536x768xbf16>
    %dot_general3A = arith.constant dense<0.000000e+00> : vector<256x1536xf32>
    %dot_general3A_5 = tpu.matmul %convert_element_type3A, %get3A_4, %dot_general3A {dimension_numbers = #tpu.dot_dimension_numbers<[1], [1], [0], [0], [0, 0, 1, 0], [], []>, transpose_lhs_hint = false} : vector<256x768xbf16>, vector<1536x768xbf16>, vector<256x1536xf32> -> vector<256x1536xf32>
    %get3A_6 = arith.constant 0 : index
    %get3A_7 = arith.constant 0 : index
    %get3A_8 = vector.load %arg8[%get3A_6, %get3A_7] : memref<1536x768xbf16, #tpu.memory_space<vmem>>, vector<1536x768xbf16>
    %dot_general3A_9 = arith.constant dense<0.000000e+00> : vector<256x1536xf32>
    %dot_general3A_10 = tpu.matmul %convert_element_type3A, %get3A_8, %dot_general3A_9 {dimension_numbers = #tpu.dot_dimension_numbers<[1], [1], [0], [0], [0, 0, 1, 0], [], []>, transpose_lhs_hint = false} : vector<256x768xbf16>, vector<1536x768xbf16>, vector<256x1536xf32> -> vector<256x1536xf32>
    %mul3A = arith.constant 5.000000e-01 : f32
    %mul3A_11 = vector.broadcast %mul3A : f32 to vector<256x1536xf32>
    %mul3A_12 = arith.mulf %mul3A_11, %dot_general3A_5 : vector<256x1536xf32>
    %div3A = arith.constant 1.41421354 : f32
    %div3A_13 = vector.broadcast %div3A : f32 to vector<256x1536xf32>
    %div3A_14 = arith.divf %dot_general3A_5, %div3A_13 : vector<256x1536xf32>
    %erf3A = math.erf %div3A_14 : vector<256x1536xf32>
    %add3A = arith.constant 1.000000e+00 : f32
    %add3A_15 = vector.broadcast %add3A : f32 to vector<256x1536xf32>
    %add3A_16 = arith.addf %add3A_15, %erf3A : vector<256x1536xf32>
    %mul3A_17 = arith.mulf %mul3A_12, %add3A_16 : vector<256x1536xf32>
    %mul3A_18 = arith.mulf %mul3A_17, %dot_general3A_10 : vector<256x1536xf32>
    %convert_element_type3A_19 = arith.truncf %mul3A_18 : vector<256x1536xf32> to vector<256x1536xbf16>
    %get3A_20 = arith.constant 0 : index
    %get3A_21 = arith.constant 0 : index
    %get3A_22 = vector.load %arg7[%get3A_20, %get3A_21] : memref<768x1536xbf16, #tpu.memory_space<vmem>>, vector<768x1536xbf16>
    %dot_general3A_23 = arith.constant dense<0.000000e+00> : vector<256x768xf32>
    %dot_general3A_24 = tpu.matmul %convert_element_type3A_19, %get3A_22, %dot_general3A_23 {dimension_numbers = #tpu.dot_dimension_numbers<[1], [1], [0], [0], [0, 0, 1, 0], [], []>, transpose_lhs_hint = false} : vector<256x1536xbf16>, vector<768x1536xbf16>, vector<256x768xf32> -> vector<256x768xf32>
    %get3A_25 = arith.constant 0 : index
    %get3A_26 = arith.constant 0 : index
    %get3A_27 = vector.load %arg3[%get3A_25, %get3A_26] : memref<256x8xf32, #tpu.memory_space<vmem>>, vector<256x8xf32>
    %get3A_28 = arith.constant 0 : index
    %get3A_29 = arith.constant 0 : index
    %get3A_30 = vector.load %arg2[%get3A_28, %get3A_29] : memref<256x768xf32, #tpu.memory_space<vmem>>, vector<256x768xf32>
    %add3A_31 = arith.addf %get3A_30, %dot_general3A_24 : vector<256x768xf32>
    %slice3A = vector.extract_strided_slice %get3A_27 {offsets = [0, 2], sizes = [256, 1], strides = [1, 1]} : vector<256x8xf32> to vector<256x1xf32>
    %get3A_32 = arith.constant 0 : index
    %get3A_33 = arith.constant 0 : index
    %get3A_34 = vector.load %arg4[%get3A_32, %get3A_33] : memref<256x768xf32, #tpu.memory_space<vmem>>, vector<256x768xf32>
    %mul3A_35 = vector.broadcast %slice3A : vector<256x1xf32> to vector<256x768xf32>
    %mul3A_36 = arith.mulf %mul3A_35, %get3A_34 : vector<256x768xf32>
    %add3A_37 = arith.addf %add3A_31, %mul3A_36 : vector<256x768xf32>
    %slice3A_38 = vector.extract_strided_slice %get3A_27 {offsets = [0, 3], sizes = [256, 1], strides = [1, 1]} : vector<256x8xf32> to vector<256x1xf32>
    %get3A_39 = arith.constant 0 : index
    %get3A_40 = arith.constant 0 : index
    %get3A_41 = vector.load %arg5[%get3A_39, %get3A_40] : memref<256x768xf32, #tpu.memory_space<vmem>>, vector<256x768xf32>
    %mul3A_42 = vector.broadcast %slice3A_38 : vector<256x1xf32> to vector<256x768xf32>
    %mul3A_43 = arith.mulf %mul3A_42, %get3A_41 : vector<256x768xf32>
    %add3A_44 = arith.addf %add3A_37, %mul3A_43 : vector<256x768xf32>
    %swap3A = arith.constant 0 : index
    %swap3A_45 = arith.constant 0 : index
    %swap3A_46 = vector.load %arg9[%swap3A, %swap3A_45] : memref<256x768xf32, #tpu.memory_space<vmem>>, vector<256x768xf32>
    tpu.vector_store %arg9[%swap3A, %swap3A_45], %add3A_44 {strides = array<i32>} : memref<256x768xf32, #tpu.memory_space<vmem>>, vector<256x768xf32>,
    return
  }
  func.func @transform_0(%arg0: i32) -> (i32, i32) {
    %c0_i32 = arith.constant 0 : i32
    %c0_i32_0 = arith.constant 0 : i32
    return %arg0, %c0_i32 : i32, i32
  }
  func.func @transform_1(%arg0: i32) -> (i32, i32) {
    %c0_i32 = arith.constant 0 : i32
    %c0_i32_0 = arith.constant 0 : i32
    return %arg0, %c0_i32 : i32, i32
  }
  func.func @transform_2(%arg0: i32) -> (i32, i32) {
    %c0_i32 = arith.constant 0 : i32
    %c0_i32_0 = arith.constant 0 : i32
    return %arg0, %c0_i32 : i32, i32
  }
  func.func @transform_3(%arg0: i32) -> (i32, i32) {
    %c0_i32 = arith.constant 0 : i32
    %c0_i32_0 = arith.constant 0 : i32
    return %arg0, %c0_i32 : i32, i32
  }
  func.func @transform_4(%arg0: i32) -> (i32, i32) {
    %c0_i32 = arith.constant 0 : i32
    %c0_i32_0 = arith.constant 0 : i32
    return %arg0, %c0_i32 : i32, i32
  }
  func.func @transform_5(%arg0: i32) -> (i32, i32) {
    %c0_i32 = arith.constant 0 : i32
    %c0_i32_0 = arith.constant 0 : i32
    %c0_i32_1 = arith.constant 0 : i32
    return %c0_i32, %c0_i32_0 : i32, i32
  }
  func.func @transform_6(%arg0: i32) -> (i32, i32) {
    %c0_i32 = arith.constant 0 : i32
    %c0_i32_0 = arith.constant 0 : i32
    %c0_i32_1 = arith.constant 0 : i32
    return %c0_i32, %c0_i32_0 : i32, i32
  }
  func.func @transform_7(%arg0: i32) -> (i32, i32) {
    %c0_i32 = arith.constant 0 : i32
    %c0_i32_0 = arith.constant 0 : i32
    %c0_i32_1 = arith.constant 0 : i32
    return %c0_i32, %c0_i32_0 : i32, i32
  }
  func.func @transform_8(%arg0: i32) -> (i32, i32) {
    %c0_i32 = arith.constant 0 : i32
    %c0_i32_0 = arith.constant 0 : i32
    return %arg0, %c0_i32 : i32, i32
  }
}

</mosaic_0001>

<sc_bundles>
// kernel: kernel.12.cloned.1.call-start
scs
__scs_entry_jumppad:
0x0: {  	(pc) =	sbr.rel $0x88, $3  }
0x1: {  	(tag) =	ssettag $0x0;
	lr =	simm.s32 $0x1  }
0x2: {  	[smem:$0x3F96] =	sst lr;
	_ =	strace $0xD0000000  }
0x3: {  	_ = 	snop  }
0x4: {  	_ = 	snop  }
0x5: {  	_ = 	snop  }
0x6: {  	_ = 	snop  }
0x7: {  	_ = 	snop  }
__scs_overlays_trampoline_lowered:
0x8: {  	[smem:$0x3FA5] =	sst s0  }
0x9: {  	[smem:$0x3FA6] =	sst s1  }
0xa: {  	[smem:$0x3FA7] =	sst s2  }
0xb: {  	[smem:$0x3FA8] =	sst s3  }
0xc: {  	[smem:$0x3FA9] =	sst s4  }
0xd: {  	[smem:$0x3FAA] =	sst s5  }
0xe: {  	[smem:$0x3FAB] =	sst s6  }
0xf: {  	[smem:$0x3FAC] =	sst s7  }
0x10: {  	[smem:$0x3FAD] =	sst s8  }
0x11: {  	[smem:$0x3FAE] =	sst s9;
	s0 =	simm.s32 @!p0 $0x0  }
0x12: {  	s1 =	sld [smem:$0x3F94];
	s0 =	simm.s32 @p0 $0x1  }
0x13: {  	[smem:$0x3FAF] =	sst s0;
	s0 =	simm.s32 @!p1 $0x0  }
0x14: {  	s2 =	sld [smem:$0x3F93];
	s0 =	simm.s32 @p1 $0x1  }
0x15: {  	[smem:$0x3FB0] =	sst s0;
	s0 =	simm.s32 @!p2 $0x0  }
0x16: {  	s3 =	sld [smem:$0x3FDB];
	s0 =	simm.s32 @p2 $0x1  }
0x17: {  	s4 =	simm.s32 $0x1BF5;
	[smem:$0x3FB2] =	sst s0  }
0x18: {  	s0 =	sld [smem:$0x3F95];
	_ =	swait.ge [sflag:s4], $0x0  }
0x19: {  	s7 =	sld [smem:$0x3F96]  }
0x1a: {  	s8 =	sadd.s32 $0xFFFFE003, lr  }
0x1b: {  	s9 =	sadd.s32 $0xFFFFFEF7, lr;
	s5 =	simm.s32 $0xFFFFFFFF;
	p2 =	slt.u32 s8, $0xFFFFF086  }
0x1c: {  	p1 =	slt.u32 s9, $0xF7A;
	s5 =	simm.s32 @!p2 $0x0  }
0x1d: {  	s5 =	simm.s32 @p1 $0x1;
	p0 =	seq.s32 s7, s2  }
0x1e: {  	s7 =	smul.u32 @!p0 $0xF7A, s2;
	p2 =	seq.s32 @!p0 s5, $0x0  }
0x1f: {  	s9 =	smul.u32 $0xF7A, s1;
	s8 =	simm.s32 @!p0 $0x1BF5;
	p2 =	por !p2, p0  }
0x20: {  	[sflag:s8] =	ssyncset.s32 @!p0 $0xFFFFF086;
	s6 =	sadd.s32 @!p0 s3, s7;
	s7 =	simm.s32 @!p0 $0x108  }
0x21: {  	s3 =	sadd.s32 s3, s9;
	s6 =	sadd.s32 @!p0 $0x88, s6;
	s7 =	simm.s32 @p2 $0x1082  }
0x22: {  	[simem:s7], [sflag:s8] =	dma.local @!p0 [hbm:s6], $0xF7A  }
0x23: {  	s9 =	sor.u32 $0xD0000000, s2;
	s6 =	simm.s32 $0x108;
	_ =	swait.ge @!p0 [sflag:s8], $0x0  }
0x24: {  	s3 =	sadd.s32 $0x88, s3;
	s6 =	simm.s32 @!p1 $0x1082;
	[sflag:s4] =	ssyncset.s32 $0xFFFFF086  }
0x25: {  	[simem:s6], [sflag:s4] =	dma.local [hbm:s3], $0xF7A  }
0x26: {  	[smem:$0x3F96] =	sst s1;
	(tag) =	ssettag s2;
	_ =	strace s9  }
0x27: {  	s1 =	sld [smem:$0x3FA6]  }
0x28: {  	s2 =	sld [smem:$0x3FA7]  }
0x29: {  	s4 =	sld [smem:$0x3FA9]  }
0x2a: {  	p0 =	seq.s32 s5, $0x0;
	s5 =	sld [smem:$0x3FAA]  }
0x2b: {  	s6 =	sld [smem:$0x3FAB]  }
0x2c: {  	s7 =	sld [smem:$0x3FAC]  }
0x2d: {  	s3 =	simm.s32 $0x108;
	s8 =	sld [smem:$0x3FAD]  }
0x2e: {  	s3 =	simm.s32 @!p0 $0x1082;
	s9 =	sld [smem:$0x3FAE]  }
0x2f: {  	lr =	sadd.s32 s0, s3;
	s0 =	sld [smem:$0x3FA5]  }
0x30: {  	s3 =	sld [smem:$0x3FA8]  }
0x31: {  	[smem:$0x3FB1] =	sst s10  }
0x32: {  	s10 =	sld [smem:$0x3FAF];
	_ =	sdelay $0x3  }
0x33: {  	p0 =	seq.s32 s10, $0x1;
	s10 =	sld [smem:$0x3FB1];
	_ =	sdelay $0x3  }
0x34: {  	[smem:$0x3FB1] =	sst s10  }
0x35: {  	s10 =	sld [smem:$0x3FB0];
	_ =	sdelay $0x3  }
0x36: {  	p1 =	seq.s32 s10, $0x1;
	s10 =	sld [smem:$0x3FB1];
	_ =	sdelay $0x3  }
0x37: {  	[smem:$0x3FB1] =	sst s10  }
0x38: {  	s10 =	sld [smem:$0x3FB2]  }
0x39: {  	_ = 	snop;
	(pc) =	sbr.ind lr, $3  }
0x3a: {  	_ = 	snop  }
0x3b: {  	_ = 	snop  }
0x3c: {  	p2 =	seq.s32 s10, $0x1;
	s10 =	sld [smem:$0x3FB1]  }
0x3d: {  	_ =	shalt  }
0x3e: {  	_ =	shalt  }
0x3f: {  	_ =	shalt  }
0x40: {  	_ =	shalt  }
0x41: {  	_ =	shalt  }
0x42: {  	_ =	shalt  }
0x43: {  	_ =	shalt  }
0x44: {  	_ =	shalt  }
0x45: {  	_ =	shalt  }
0x46: {  	_ =	shalt  }
0x47: {  	_ =	shalt  }
0x48: {  	_ =	shalt  }
0x49: {  	_ =	shalt  }
0x4a: {  	_ =	shalt  }
0x4b: {  	_ =	shalt  }
0x4c: {  	_ =	shalt  }
0x4d: {  	_ =	shalt  }
0x4e: {  	_ =	shalt  }
0x4f: {  	_ =	shalt  }
0x50: {  	_ =	shalt  }
0x51: {  	_ =	shalt  }
0x52: {  	_ =	shalt  }
0x53: {  	_ =	shalt  }
0x54: {  	_ =	shalt  }
0x55: {  	_ =	shalt  }
0x56: {  	_ =	shalt  }
0x57: {  	_ =	shalt  }
0x58: {  	_ =	shalt  }
0x59: {  	_ =	shalt  }
0x5a: {  	_ =	shalt  }
0x5b: {  	_ =	shalt  }
0x5c: {  	_ =	shalt  }
0x5d: {  	_ =	shalt  }
0x5e: {  	_ =	shalt  }
0x5f: {  	_ =	shalt  }
0x60: {  	_ =	shalt  }
0x61: {  	_ =	shalt  }
0x62: {  	_ =	shalt  }
0x63: {  	_ =	shalt  }
0x64: {  	_ =	shalt  }
0x65: {  	_ =	shalt  }
0x66: {  	_ =	shalt  }
0x67: {  	_ =	shalt  }
0x68: {  	_ =	shalt  }
0x69: {  	_ =	shalt  }
0x6a: {  	_ =	shalt  }
0x6b: {  	_ =	shalt  }
0x6c: {  	_ =	shalt  }
0x6d: {  	_ =	shalt  }
0x6e: {  	_ =	shalt  }
0x6f: {  	_ =	shalt  }
0x70: {  	_ =	shalt  }
0x71: {  	_ =	shalt  }
0x72: {  	_ =	shalt  }
0x73: {  	_ =	shalt  }
0x74: {  	_ =	shalt  }
0x75: {  	_ =	shalt  }
0x76: {  	_ =	shalt  }
0x77: {  	_ =	shalt  }
0x78: {  	_ =	shalt  }
0x79: {  	_ =	shalt  }
0x7a: {  	_ =	shalt  }
0x7b: {  	_ =	shalt  }
0x7c: {  	_ =	shalt  }
0x7d: {  	_ =	shalt  }
0x7e: {  	_ =	shalt  }
0x7f: {  	_ =	shalt  }
0x80: {  	_ =	shalt  }
0x81: {  	_ =	shalt  }
0x82: {  	_ =	shalt  }
0x83: {  	_ =	shalt  }
0x84: {  	_ =	shalt  }
0x85: {  	_ =	shalt  }
0x86: {  	_ =	shalt  }
0x87: {  	_ =	shalt  }
.Lfunc_end0:
.L_simem_size_0:
called_computation.1_lowered:
.L_overlay_start_0:
0x88: {  	s2 =	sld [smem:$0x3FD9]  }
0x89: {  	s3 =	sld [smem:$0x3FFE];
	_ =	sdelay $0x1  }
0x8a: {  	s1 =	srdreg.scid  }
0x8b: {  	s0 =	sand.u32 $0x1, s1  }
0x8c: {  	s16 =	sshll.u32 s0, $0xA;
	s2 =	sadd.s32 s3, s2  }
0x8d: {  	s2 =	sadd.s32 s2, s16  }
0x8e: {  	[smem:$0x3FBD] =	sst s2  }
0x8f: {  	_ = 	snop  }
0x90: {  	(tm) =	ssettm $0x1  }
0x91: {  	s17 =	sld [smem:$0x3FFB];
	_ =	sdelay $0x3  }
0x92: {  	_ =	strace s17  }
0x93: {  	s2 =	sld [smem:$0x3FFC];
	_ =	sdelay $0x3  }
0x94: {  	_ =	strace s2  }
0x95: {  	s2 =	sld [smem:$0x3FFD];
	_ =	sdelay $0x3  }
0x96: {  	_ =	strace s2  }
0x97: {  	_ =	strace $0x8FFFFFFF  }
0x98: {  	s18 =	sld [smem:$0x3FDB];
	_ =	sdelay $0x1  }
0x99: {  	s19 =	simm.s32 $_scs_section_size  }
0x9a: {  	s4 =	simm.s32 $_size__tile_overlayer_lowered;
	s5 =	simm.s32 $_tile_overlayer_lowered  }
0x9b: {  	s22 =	simm.s32 $0x1BFF;
	s21 =	sshll.u32 s5, $0x1;
	s2 =	sadd.s32 s19, s18  }
0x9c: {  	s6 =	simm.s32 $0x0;
	s20 =	sshll.u32 s4, $0x1;
	s4 =	sadd.s32 s21, s2  }
0x9d: {  	[timem:s6], [sflag:s22] =	dma.local [hbm:s4], s20  }
0x9e: {  	_ =	swait.ge [sflag:s22], s20  }
0x9f: {  	s3 =	ssub.s32 $0x0, s20;
	[sflag:s22] =	ssyncset.done $0x0  }
0xa0: {  	[sflag:s22] =	ssyncadd.s32 s3;
	_ =	sdelay $0x1  }
0xa1: {  	s23 =	simm.s32 $0x1B8B  }
0xa2: {  	_ =	swait.ge [sflag:s23], $0x1  }
0xa3: {  	[sflag:s23] =	ssyncset.done $0x0  }
0xa4: {  	s25 =	simm.s32 $0x1B8E;
	s24 =	sld [smem:$0x3FFE];
	[sflag:s23] =	ssyncadd.s32 $0xFFFFFFFF  }
0xa5: {  	s26 =	simm.s32 $execute0_lowered;
	[smem:$0x3FD2] =	sst s25  }
0xa6: {  	s4 =	sshll.u32 s26, $0x1;
	_ =	strace $0x80000049;
	[dreg:$0x1] =	wrdreg $0xFFFFFFFF  }
0xa7: {  	s28 =	simm.s32 $_size_execute0_lowered;
	s2 =	sadd.s32 s2, s4;
	[dreg:$0x0] =	wrdreg $0x0  }
0xa8: {  	s4 =	sshll.u32 s28, $0x1;
	[dreg:$0x2] =	wrdreg s2  }
0xa9: {  	[dreg:$0x3] =	wrdreg s4  }
0xaa: {  	[dreg:$0x4] =	wrdreg $0xC0  }
0xab: {  	_ =	task [dreg:s6], $0x5FFFF  }
0xac: {  	[dreg:$0x1] =	wrdreg $0xFFFFFFFF  }
0xad: {  	[dreg:$0x0] =	wrdreg $0x60  }
0xae: {  	[dreg:$0x2] =	wrdreg s24  }
0xaf: {  	[dreg:$0x3] =	wrdreg $0x9  }
0xb0: {  	_ =	task.clear_ibuf [dreg:s6], $0x4FFFF;
	_ =	strace $0x90000049  }
0xb1: {  	s29 =	simm.s32 $0x9;
	_ =	strace $0x8000004B  }
0xb2: {  	_ =	swait.ge [sflag:s29], $0x1  }
0xb3: {  	[sflag:s29] =	ssyncadd.s32 $0xFFFFFFFF  }
0xb4: {  	_ =	strace $0x9000004B  }
0xb5: {  	_ =	sfence  }
0xb6: {  	s30 =	sld [smem:$0x0];
	_ =	sdelay $0x2  }
0xb7: {  	s31 =	sshll.u32 s1, $0xD;
	s1 =	sshrl.u32 s1, $0x2  }
0xb8: {  	s3 =	sand.u32 $0x4000, s31;
	s1 =	sadd.s32 s1, s30  }
0xb9: {  	s0 =	sor.u32 s3, s0;
	s1 =	sshll.u32 s1, $0x11  }
0xba: {  	s0 =	sor.u32 s1, s0  }
0xbb: {  	s0 =	sadd.s32 $0x8F2B, s0  }
0xbc: {  	[sflag:s0] =	ssyncadd.remote.s32 $0x1  }
0xbd: {  	_ =	sfence.sel $0xFFFF  }
0xbe: {  	[dreg:$0x0] =	wrdreg $0xFFFFFFFF;
	(pc) =	sbr.abs _section_cstart, $3  }
0xbf: {  	[dreg:$0x1] =	wrdreg $0xFFFFFFFF  }
0xc0: {  	_ =	task.clear_ibuf [dreg:s6], $0x2FFFF;
	_ =	strace $0x9FFFFFFF  }
0xc1: {  	(tm) =	ssettm $0x7FFFFFFF  }
tec
execute0_lowered:
.L_overlay_start_1:
0x0: {  	(tag) =	ssettag $0x1  }
0x1: {  	s0 =	srdreg.scid  }
0x2: {  	s2 =	stileid.u32;
	s1 =	rddreg [dreg:$0x0];
	s10 =	simm.s32 $0x880  }
0x3: {  	s11 =	simm.s32 $0x1080;
	s12 =	simm.s32 $0x1880;
	s13 =	simm.s32 $0x2080  }
0x4: {  	s14 =	simm.s32 $0x2880;
	s15 =	simm.s32 $0x3080;
	s16 =	simm.s32 $0x3880  }
0x5: {  	s17 =	simm.s32 $0x4080;
	s18 =	simm.s32 $0x4880;
	s19 =	simm.s32 $0x5080  }
0x6: {  	s20 =	simm.s32 $0x5880;
	s21 =	simm.s32 $0x6080;
	s22 =	simm.s32 $0x6880  }
0x7: {  	s23 =	simm.s32 $0x7080;
	s24 =	simm.s32 $0x7880;
	s28 =	simm.s32 $0x9080  }
0x8: {  	s29 =	simm.s32 $0x9880;
	s30 =	simm.s32 $0xA080;
	s31 =	simm.s32 $0xA880  }
0x9: {  	s0 =	sand.u32 $0x1, s0;
	s3 =	sshll.u32 s2, $0x4;
	s2 =	simm.s32 $0x0  }
0xa: {  	s4 =	sshll.u32 s0, $0x3;
	[smem:$0x7FF] =	sst s2;
	s0 =	ssub.s32 $0x2, s0  }
0xb: {  	s3 =	sor.u32 s4, s3;
	_ =	strace $0x8000004A;
	s7 =	sshrl.u32 s0, $0x1  }
0xc: {  	s4 =	smul.u32 $0x300, s3;
	s5 =	sadd.s32 s3, s1;
	s3 =	sadd.s32 $0x3000, s1  }
0xd: {  	s0 =	ssub.s32 s0, s7;
	s7 =	simm.s32 $0x2;
	s6 =	sadd.s32 $0x2E00, s5  }
0xe: {  	s5 =	sadd.s32 $0x2C00, s5;
	s4 =	sadd.s32 s4, s1;
	[dreg:$0x2] =	wrdreg s6  }
0xf: {  	[dreg:$0x4] =	wrdreg s5;
	s5 =	sadd.s32 $0x3200, s1;
	s6 =	smax.u32 s0, $0x1  }
0x10: {  	v2 =	vlaneseq.u32;
	s0 =	simm.s32 $0x1;
	s25 =	sadd.s32 $0x8D000, s4;
	s26 =	sadd.s32 $0xBD000, s4  }
0x11: {  	vm0 =	vmmov $0xffff;
	v1 =	vshrl.u32 v2, $0x3;
	s4 =	sadd.s32 $0x3100, s1;
	s1 =	simm.s32 $0x80;
	[dreg:$0x3] =	wrdreg s25  }
0x12: {  	v0 =	vand.u32 $0x7, v2;
	v2 =	vor.u32 $0x8, v2;
	v1 =	vmul.u32 $0x8, v1;
	[dreg:$0x5] =	wrdreg s26;
	s25 =	simm.s32 $0x8080;
	s26 =	simm.s32 $0x8880  }
.LBB2_1:
0x13: {  	s9 =	rddreg [dreg:$0x2]  }
0x14: {  	[tilespmem:s2], [sflag:$0x2] =	stream.linear.gather [hbm4b:s9+s2], $0x40, $0x38;
	[tilespmem:$0xC080] =	vst v63  }
0x15: {  	_ =	swait.ge [sflag:s7], $0x40  }
0x16: {  	[sflag:s7] =	ssyncset.done $0x0  }
0x17: {  	[sflag:s7] =	ssyncadd.s32 $0xFFFFFFC0  }
0x18: {  	v3 =	vld [tilespmem:$0x0];
	_ =	sdelay $0x4  }
0x19: {  	v4 =	vshrl.u32 v3, $0x3  }
0x1a: {  	v4 =	vmul.u32 $0x30, v4  }
0x1b: {  	v3 =	vand.u32 $0x7, v3  }
0x1c: {  	v3 =	vor.u32 v3, v4  }
0x1d: {  	v4 =	vperm.xlane v3, v0;
	_ =	sdelay $0x1  }
0x1e: {  	v4 =	vadd.s32 v1, v4;
	_ =	sdelay $0x3  }
0x1f: {  	v3 =	vperm.xlane v3, v2  }
0x20: {  	[tilespmem:s1], [sflag:$0x1] =	stream.indirect_vreg.gather [hbm4b:s3+s2], $0x80, v4, vm0, $0xb8;
	[tilespmem:$0xC080] =	vst v63  }
0x21: {  	v3 =	vadd.s32 v1, v3  }
0x22: {  	[tilespmem:s10], [sflag:$0x1] =	stream.indirect_vreg.gather [hbm4b:s4+s2], $0x80, v4, vm0, $0xb8;
	[tilespmem:$0xC080] =	vst v63  }
0x23: {  	_ = 	snop  }
0x24: {  	[tilespmem:s11], [sflag:$0x1] =	stream.indirect_vreg.gather [hbm4b:s5+s2], $0x80, v4, vm0, $0xb8;
	[tilespmem:$0xC080] =	vst v63  }
0x25: {  	_ = 	snop  }
0x26: {  	[tilespmem:s12], [sflag:$0x1] =	stream.indirect_vreg.gather [hbm4b:s3+s2], $0x80, v3, vm0, $0xb8;
	[tilespmem:$0xC080] =	vst v63  }
0x27: {  	_ = 	snop  }
0x28: {  	[tilespmem:s13], [sflag:$0x1] =	stream.indirect_vreg.gather [hbm4b:s4+s2], $0x80, v3, vm0, $0xb8;
	[tilespmem:$0xC080] =	vst v63  }
0x29: {  	_ = 	snop  }
0x2a: {  	[tilespmem:s14], [sflag:$0x1] =	stream.indirect_vreg.gather [hbm4b:s5+s2], $0x80, v3, vm0, $0xb8;
	[tilespmem:$0xC080] =	vst v63  }
0x2b: {  	v3 =	vld [tilespmem:$0x10];
	_ =	sdelay $0x4  }
0x2c: {  	v57 =	vshrl.u32 v3, $0x3  }
0x2d: {  	v4 =	vmul.u32 $0x30, v57  }
0x2e: {  	v3 =	vand.u32 $0x7, v3  }
0x2f: {  	v3 =	vor.u32 v3, v4  }
0x30: {  	v4 =	vperm.xlane v3, v0;
	_ =	sdelay $0x1  }
0x31: {  	v4 =	vadd.s32 v1, v4;
	_ =	sdelay $0x3  }
0x32: {  	v3 =	vperm.xlane v3, v2  }
0x33: {  	[tilespmem:s15], [sflag:$0x1] =	stream.indirect_vreg.gather [hbm4b:s3+s2], $0x80, v4, vm0, $0xb8;
	[tilespmem:$0xC080] =	vst v63  }
0x34: {  	v3 =	vadd.s32 v1, v3  }
0x35: {  	[tilespmem:s16], [sflag:$0x1] =	stream.indirect_vreg.gather [hbm4b:s4+s2], $0x80, v4, vm0, $0xb8;
	[tilespmem:$0xC080] =	vst v63  }
0x36: {  	_ = 	snop  }
0x37: {  	[tilespmem:s17], [sflag:$0x1] =	stream.indirect_vreg.gather [hbm4b:s5+s2], $0x80, v4, vm0, $0xb8;
	[tilespmem:$0xC080] =	vst v63  }
0x38: {  	_ = 	snop  }
0x39: {  	[tilespmem:s18], [sflag:$0x1] =	stream.indirect_vreg.gather [hbm4b:s3+s2], $0x80, v3, vm0, $0xb8;
	[tilespmem:$0xC080] =	vst v63  }
0x3a: {  	_ = 	snop  }
0x3b: {  	[tilespmem:s19], [sflag:$0x1] =	stream.indirect_vreg.gather [hbm4b:s4+s2], $0x80, v3, vm0, $0xb8;
	[tilespmem:$0xC080] =	vst v63  }
0x3c: {  	_ = 	snop  }
0x3d: {  	[tilespmem:s20], [sflag:$0x1] =	stream.indirect_vreg.gather [hbm4b:s5+s2], $0x80, v3, vm0, $0xb8;
	[tilespmem:$0xC080] =	vst v63  }
0x3e: {  	v3 =	vld [tilespmem:$0x20];
	_ =	sdelay $0x4  }
0x3f: {  	v58 =	vshrl.u32 v3, $0x3  }
0x40: {  	v4 =	vmul.u32 $0x30, v58  }
0x41: {  	v3 =	vand.u32 $0x7, v3  }
0x42: {  	v3 =	vor.u32 v3, v4  }
0x43: {  	v4 =	vperm.xlane v3, v0;
	_ =	sdelay $0x1  }
0x44: {  	v4 =	vadd.s32 v1, v4;
	_ =	sdelay $0x3  }
0x45: {  	v3 =	vperm.xlane v3, v2  }
0x46: {  	[tilespmem:s21], [sflag:$0x1] =	stream.indirect_vreg.gather [hbm4b:s3+s2], $0x80, v4, vm0, $0xb8;
	[tilespmem:$0xC080] =	vst v63  }
0x47: {  	v3 =	vadd.s32 v1, v3  }
0x48: {  	[tilespmem:s22], [sflag:$0x1] =	stream.indirect_vreg.gather [hbm4b:s4+s2], $0x80, v4, vm0, $0xb8;
	[tilespmem:$0xC080] =	vst v63  }
0x49: {  	_ = 	snop  }
0x4a: {  	[tilespmem:s23], [sflag:$0x1] =	stream.indirect_vreg.gather [hbm4b:s5+s2], $0x80, v4, vm0, $0xb8;
	[tilespmem:$0xC080] =	vst v63  }
0x4b: {  	_ = 	snop  }
0x4c: {  	[tilespmem:s24], [sflag:$0x1] =	stream.indirect_vreg.gather [hbm4b:s3+s2], $0x80, v3, vm0, $0xb8;
	[tilespmem:$0xC080] =	vst v63  }
0x4d: {  	_ = 	snop  }
0x4e: {  	[tilespmem:s25], [sflag:$0x1] =	stream.indirect_vreg.gather [hbm4b:s4+s2], $0x80, v3, vm0, $0xb8;
	[tilespmem:$0xC080] =	vst v63  }
0x4f: {  	_ = 	snop  }
0x50: {  	[tilespmem:s26], [sflag:$0x1] =	stream.indirect_vreg.gather [hbm4b:s5+s2], $0x80, v3, vm0, $0xb8;
	[tilespmem:$0xC080] =	vst v63  }
0x51: {  	v3 =	vld [tilespmem:$0x30];
	_ =	sdelay $0x4  }
0x52: {  	v59 =	vshrl.u32 v3, $0x3  }
0x53: {  	v4 =	vmul.u32 $0x30, v59  }
0x54: {  	v3 =	vand.u32 $0x7, v3  }
0x55: {  	v3 =	vor.u32 v3, v4  }
0x56: {  	v4 =	vperm.xlane v3, v0;
	_ =	sdelay $0x1  }
0x57: {  	v4 =	vadd.s32 v1, v4;
	_ =	sdelay $0x3  }
0x58: {  	v3 =	vperm.xlane v3, v2  }
0x59: {  	[tilespmem:s28], [sflag:$0x1] =	stream.indirect_vreg.gather [hbm4b:s3+s2], $0x80, v4, vm0, $0xb8;
	[tilespmem:$0xC080] =	vst v63  }
0x5a: {  	v3 =	vadd.s32 v1, v3  }
0x5b: {  	[tilespmem:s29], [sflag:$0x1] =	stream.indirect_vreg.gather [hbm4b:s4+s2], $0x80, v4, vm0, $0xb8;
	[tilespmem:$0xC080] =	vst v63  }
0x5c: {  	_ = 	snop  }
0x5d: {  	[tilespmem:s30], [sflag:$0x1] =	stream.indirect_vreg.gather [hbm4b:s5+s2], $0x80, v4, vm0, $0xb8;
	[tilespmem:$0xC080] =	vst v63  }
0x5e: {  	_ = 	snop  }
0x5f: {  	[tilespmem:s31], [sflag:$0x1] =	stream.indirect_vreg.gather [hbm4b:s3+s2], $0x80, v3, vm0, $0xb8;
	[tilespmem:$0xC080] =	vst v63  }
0x60: {  	s8 =	simm.s32 $0xB080  }
0x61: {  	[tilespmem:s8], [sflag:$0x1] =	stream.indirect_vreg.gather [hbm4b:s4+s2], $0x80, v3, vm0, $0xb8;
	[tilespmem:$0xC080] =	vst v63  }
0x62: {  	s8 =	simm.s32 $0xB880  }
0x63: {  	[tilespmem:s8], [sflag:$0x1] =	stream.indirect_vreg.gather [hbm4b:s5+s2], $0x80, v3, vm0, $0xb8;
	[tilespmem:$0xC080] =	vst v63  }
0x64: {  	_ =	swait.ge [sflag:s0], $0xC000  }
0x65: {  	[sflag:s0] =	ssyncset.done $0x0  }
0x66: {  	s9 =	rddreg [dreg:$0x3];
	[sflag:s0] =	ssyncadd.s32 $0xFFFF4000  }
0x67: {  	[hbm4b:s9+s2] =	stream.linear.scatter [tilespmem:s1], [sflag:$0x2], $0xC000, $0x38;
	[tilespmem:$0xC080] =	vst v63  }
0x68: {  	_ =	swait.ge [sflag:s7], $0xC000  }
0x69: {  	[sflag:s7] =	ssyncset.done $0x0  }
0x6a: {  	s9 =	rddreg [dreg:$0x4];
	[sflag:s7] =	ssyncadd.s32 $0xFFFF4000  }
0x6b: {  	[tilespmem:s2], [sflag:$0x2] =	stream.linear.gather [hbm4b:s9+s2], $0x40, $0x38;
	[tilespmem:$0xC080] =	vst v63  }
0x6c: {  	_ =	swait.ge [sflag:s7], $0x40  }
0x6d: {  	[sflag:s7] =	ssyncset.done $0x0  }
0x6e: {  	[sflag:s7] =	ssyncadd.s32 $0xFFFFFFC0  }
0x6f: {  	v3 =	vld [tilespmem:$0x0];
	_ =	sdelay $0x4  }
0x70: {  	v60 =	vshrl.u32 v3, $0x3  }
0x71: {  	v4 =	vmul.u32 $0x30, v60  }
0x72: {  	v3 =	vand.u32 $0x7, v3  }
0x73: {  	v3 =	vor.u32 v3, v4  }
0x74: {  	v4 =	vperm.xlane v3, v0;
	_ =	sdelay $0x1  }
0x75: {  	v4 =	vadd.s32 v1, v4;
	_ =	sdelay $0x3  }
0x76: {  	v3 =	vperm.xlane v3, v2  }
0x77: {  	[tilespmem:s1], [sflag:$0x1] =	stream.indirect_vreg.gather [hbm4b:s3+s2], $0x80, v4, vm0, $0xb8;
	[tilespmem:$0xC080] =	vst v63  }
0x78: {  	v3 =	vadd.s32 v1, v3  }
0x79: {  	[tilespmem:s10], [sflag:$0x1] =	stream.indirect_vreg.gather [hbm4b:s4+s2], $0x80, v4, vm0, $0xb8;
	[tilespmem:$0xC080] =	vst v63  }
0x7a: {  	_ = 	snop  }
0x7b: {  	[tilespmem:s11], [sflag:$0x1] =	stream.indirect_vreg.gather [hbm4b:s5+s2], $0x80, v4, vm0, $0xb8;
	[tilespmem:$0xC080] =	vst v63  }
0x7c: {  	_ = 	snop  }
0x7d: {  	[tilespmem:s12], [sflag:$0x1] =	stream.indirect_vreg.gather [hbm4b:s3+s2], $0x80, v3, vm0, $0xb8;
	[tilespmem:$0xC080] =	vst v63  }
0x7e: {  	_ = 	snop  }
0x7f: {  	[tilespmem:s13], [sflag:$0x1] =	stream.indirect_vreg.gather [hbm4b:s4+s2], $0x80, v3, vm0, $0xb8;
	[tilespmem:$0xC080] =	vst v63  }
0x80: {  	_ = 	snop  }
0x81: {  	[tilespmem:s14], [sflag:$0x1] =	stream.indirect_vreg.gather [hbm4b:s5+s2], $0x80, v3, vm0, $0xb8;
	[tilespmem:$0xC080] =	vst v63  }
0x82: {  	v3 =	vld [tilespmem:$0x10];
	_ =	sdelay $0x4  }
0x83: {  	v61 =	vshrl.u32 v3, $0x3  }
0x84: {  	v4 =	vmul.u32 $0x30, v61  }
0x85: {  	v3 =	vand.u32 $0x7, v3  }
0x86: {  	v3 =	vor.u32 v3, v4  }
0x87: {  	v4 =	vperm.xlane v3, v0;
	_ =	sdelay $0x1  }
0x88: {  	v4 =	vadd.s32 v1, v4;
	_ =	sdelay $0x3  }
0x89: {  	v3 =	vperm.xlane v3, v2  }
0x8a: {  	[tilespmem:s15], [sflag:$0x1] =	stream.indirect_vreg.gather [hbm4b:s3+s2], $0x80, v4, vm0, $0xb8;
	[tilespmem:$0xC080] =	vst v63  }
0x8b: {  	v3 =	vadd.s32 v1, v3  }
0x8c: {  	[tilespmem:s16], [sflag:$0x1] =	stream.indirect_vreg.gather [hbm4b:s4+s2], $0x80, v4, vm0, $0xb8;
	[tilespmem:$0xC080] =	vst v63  }
0x8d: {  	_ = 	snop  }
0x8e: {  	[tilespmem:s17], [sflag:$0x1] =	stream.indirect_vreg.gather [hbm4b:s5+s2], $0x80, v4, vm0, $0xb8;
	[tilespmem:$0xC080] =	vst v63  }
0x8f: {  	_ = 	snop  }
0x90: {  	[tilespmem:s18], [sflag:$0x1] =	stream.indirect_vreg.gather [hbm4b:s3+s2], $0x80, v3, vm0, $0xb8;
	[tilespmem:$0xC080] =	vst v63  }
0x91: {  	_ = 	snop  }
0x92: {  	[tilespmem:s19], [sflag:$0x1] =	stream.indirect_vreg.gather [hbm4b:s4+s2], $0x80, v3, vm0, $0xb8;
	[tilespmem:$0xC080] =	vst v63  }
0x93: {  	_ = 	snop  }
0x94: {  	[tilespmem:s20], [sflag:$0x1] =	stream.indirect_vreg.gather [hbm4b:s5+s2], $0x80, v3, vm0, $0xb8;
	[tilespmem:$0xC080] =	vst v63  }
0x95: {  	v3 =	vld [tilespmem:$0x20];
	_ =	sdelay $0x4  }
0x96: {  	v62 =	vshrl.u32 v3, $0x3  }
0x97: {  	v4 =	vmul.u32 $0x30, v62  }
0x98: {  	v3 =	vand.u32 $0x7, v3  }
0x99: {  	v3 =	vor.u32 v3, v4  }
0x9a: {  	v4 =	vperm.xlane v3, v0;
	_ =	sdelay $0x1  }
0x9b: {  	v4 =	vadd.s32 v1, v4;
	_ =	sdelay $0x3  }
0x9c: {  	v3 =	vperm.xlane v3, v2  }
0x9d: {  	[tilespmem:s21], [sflag:$0x1] =	stream.indirect_vreg.gather [hbm4b:s3+s2], $0x80, v4, vm0, $0xb8;
	[tilespmem:$0xC080] =	vst v63  }
0x9e: {  	v3 =	vadd.s32 v1, v3  }
0x9f: {  	[tilespmem:s22], [sflag:$0x1] =	stream.indirect_vreg.gather [hbm4b:s4+s2], $0x80, v4, vm0, $0xb8;
	[tilespmem:$0xC080] =	vst v63  }
0xa0: {  	_ = 	snop  }
0xa1: {  	[tilespmem:s23], [sflag:$0x1] =	stream.indirect_vreg.gather [hbm4b:s5+s2], $0x80, v4, vm0, $0xb8;
	[tilespmem:$0xC080] =	vst v63  }
0xa2: {  	_ = 	snop  }
0xa3: {  	[tilespmem:s24], [sflag:$0x1] =	stream.indirect_vreg.gather [hbm4b:s3+s2], $0x80, v3, vm0, $0xb8;
	[tilespmem:$0xC080] =	vst v63  }
0xa4: {  	_ = 	snop  }
0xa5: {  	[tilespmem:s25], [sflag:$0x1] =	stream.indirect_vreg.gather [hbm4b:s4+s2], $0x80, v3, vm0, $0xb8;
	[tilespmem:$0xC080] =	vst v63  }
0xa6: {  	_ = 	snop  }
0xa7: {  	[tilespmem:s26], [sflag:$0x1] =	stream.indirect_vreg.gather [hbm4b:s5+s2], $0x80, v3, vm0, $0xb8;
	[tilespmem:$0xC080] =	vst v63  }
0xa8: {  	v3 =	vld [tilespmem:$0x30];
	_ =	sdelay $0x4  }
0xa9: {  	v63 =	vshrl.u32 v3, $0x3  }
0xaa: {  	v4 =	vmul.u32 $0x30, v63  }
0xab: {  	v3 =	vand.u32 $0x7, v3  }
0xac: {  	v3 =	vor.u32 v3, v4  }
0xad: {  	v4 =	vperm.xlane v3, v0;
	_ =	sdelay $0x1  }
0xae: {  	v4 =	vadd.s32 v1, v4;
	_ =	sdelay $0x3  }
0xaf: {  	v3 =	vperm.xlane v3, v2  }
0xb0: {  	[tilespmem:s28], [sflag:$0x1] =	stream.indirect_vreg.gather [hbm4b:s3+s2], $0x80, v4, vm0, $0xb8;
	[tilespmem:$0xC080] =	vst v63  }
0xb1: {  	v3 =	vadd.s32 v1, v3  }
0xb2: {  	[tilespmem:s29], [sflag:$0x1] =	stream.indirect_vreg.gather [hbm4b:s4+s2], $0x80, v4, vm0, $0xb8;
	[tilespmem:$0xC080] =	vst v63  }
0xb3: {  	_ = 	snop  }
0xb4: {  	[tilespmem:s30], [sflag:$0x1] =	stream.indirect_vreg.gather [hbm4b:s5+s2], $0x80, v4, vm0, $0xb8;
	[tilespmem:$0xC080] =	vst v63  }
0xb5: {  	_ = 	snop  }
0xb6: {  	[tilespmem:s31], [sflag:$0x1] =	stream.indirect_vreg.gather [hbm4b:s3+s2], $0x80, v3, vm0, $0xb8;
	[tilespmem:$0xC080] =	vst v63  }
0xb7: {  	s9 =	simm.s32 $0xB080  }
0xb8: {  	[tilespmem:s9], [sflag:$0x1] =	stream.indirect_vreg.gather [hbm4b:s4+s2], $0x80, v3, vm0, $0xb8;
	[tilespmem:$0xC080] =	vst v63  }
0xb9: {  	_ = 	snop  }
0xba: {  	[tilespmem:s8], [sflag:$0x1] =	stream.indirect_vreg.gather [hbm4b:s5+s2], $0x80, v3, vm0, $0xb8;
	[tilespmem:$0xC080] =	vst v63  }
0xbb: {  	_ =	swait.ge [sflag:s0], $0xC000  }
0xbc: {  	p0 =	sne.s32 s6, $0x1;
	[sflag:s0] =	ssyncset.done $0x0  }
.Ltmp0:
0xbd: {  	s8 =	rddreg [dreg:$0x5];
	[sflag:s0] =	ssyncadd.s32 $0xFFFF4000;
	(pc) =	sbr.rel @p0 .LBB2_1-.Ltmp0, $4  }
0xbe: {  	[hbm4b:s8+s2] =	stream.linear.scatter [tilespmem:s1], [sflag:$0x2], $0xC000, $0x38;
	[tilespmem:$0xC080] =	vst v63  }
0xbf: {  	_ =	swait.ge [sflag:s7], $0xC000  }
0xc0: {  	[sflag:s7] =	ssyncset.done $0x0  }
0xc1: {  	s6 =	sadd.s32 $0xFFFFFFFF, s6;
	[sflag:s7] =	ssyncadd.s32 $0xFFFF4000  }
0xc2: {  	_ =	sfence.sel $0x180000  }
0xc3: {  	[bflag:$0x0] =	sbarrier.arrive $0xFFFF  }
0xc4: {  	_ =	strace $0x9000004A  }
0xc5: {  	s0 =	stileid.u32;
	[bflag:$0x2] =	sbarrier.arrive $0xFFFF  }
0xc6: {  	p0 =	sne.s32 s0, $0x0;
	s0 =	rddreg [dreg:$0x1]  }
0xc7: {  	s0 =	sadd.s32 @!p0 $0x100000, s0  }
0xc8: {  	[sflag:s0] =	ssyncadd.tile.s32 @!p0 $0x1;
	_ =	shalt  }
.Lfunc_end2:
_tile_overlayer_lowered:
.L_overlay_start_2:
0xc9: {  	(tag) =	ssettag $0x2  }
0xca: {  	s0 =	rddreg [dreg:$0x0];
	s2 =	stileid.u32  }
0xcb: {  	s1 =	rddreg [dreg:$0x1];
	p0 =	sne.s32 s2, $0x0  }
0xcc: {  	s3 =	rddreg [dreg:$0x2];
	[bflag:$0x3] =	sbarrier.arrive $0xFFFF;
	s2 =	simm.s32 @!p0 $0x1C02  }
0xcd: {  	[timem:s3], [sflag:s2] =	dma.local @!p0 [hbm:s0], s1  }
0xce: {  	s0 =	simm.s32 @!p0 $0x2  }
0xcf: {  	_ =	swait.ge @!p0 [sflag:s0], s1  }
0xd0: {  	s1 =	ssub.s32 @!p0 $0x0, s1;
	[sflag:s0] =	ssyncset.done @!p0 $0x0  }
0xd1: {  	[sflag:s0] =	ssyncadd.s32 @!p0 s1  }
0xd2: {  	[bflag:$0x3] =	sbarrier.arrive $0xFFFF  }
0xd3: {  	_ =	shalt  }

// kernel: kernel.9.cloned.1.call-start
scs
__scs_entry_jumppad:
0x0: {  	(pc) =	sbr.rel $0x88, $3  }
0x1: {  	(tag) =	ssettag $0x0;
	lr =	simm.s32 $0x1  }
0x2: {  	[smem:$0x3F96] =	sst lr;
	_ =	strace $0xD0000000  }
0x3: {  	_ = 	snop  }
0x4: {  	_ = 	snop  }
0x5: {  	_ = 	snop  }
0x6: {  	_ = 	snop  }
0x7: {  	_ = 	snop  }
__scs_overlays_trampoline_lowered:
0x8: {  	[smem:$0x3FA5] =	sst s0  }
0x9: {  	[smem:$0x3FA6] =	sst s1  }
0xa: {  	[smem:$0x3FA7] =	sst s2  }
0xb: {  	[smem:$0x3FA8] =	sst s3  }
0xc: {  	[smem:$0x3FA9] =	sst s4  }
0xd: {  	[smem:$0x3FAA] =	sst s5  }
0xe: {  	[smem:$0x3FAB] =	sst s6  }
0xf: {  	[smem:$0x3FAC] =	sst s7  }
0x10: {  	[smem:$0x3FAD] =	sst s8  }
0x11: {  	[smem:$0x3FAE] =	sst s9;
	s0 =	simm.s32 @!p0 $0x0  }
0x12: {  	s1 =	sld [smem:$0x3F94];
	s0 =	simm.s32 @p0 $0x1  }
0x13: {  	[smem:$0x3FAF] =	sst s0;
	s0 =	simm.s32 @!p1 $0x0  }
0x14: {  	s2 =	sld [smem:$0x3F93];
	s0 =	simm.s32 @p1 $0x1  }
0x15: {  	[smem:$0x3FB0] =	sst s0;
	s0 =	simm.s32 @!p2 $0x0  }
0x16: {  	s3 =	sld [smem:$0x3FDB];
	s0 =	simm.s32 @p2 $0x1  }
0x17: {  	s4 =	simm.s32 $0x1BF5;
	[smem:$0x3FB2] =	sst s0  }
0x18: {  	s0 =	sld [smem:$0x3F95];
	_ =	swait.ge [sflag:s4], $0x0  }
0x19: {  	s7 =	sld [smem:$0x3F96]  }
0x1a: {  	s8 =	sadd.s32 $0xFFFFE003, lr  }
0x1b: {  	s9 =	sadd.s32 $0xFFFFFEF7, lr;
	s5 =	simm.s32 $0xFFFFFFFF;
	p2 =	slt.u32 s8, $0xFFFFF086  }
0x1c: {  	p1 =	slt.u32 s9, $0xF7A;
	s5 =	simm.s32 @!p2 $0x0  }
0x1d: {  	s5 =	simm.s32 @p1 $0x1;
	p0 =	seq.s32 s7, s2  }
0x1e: {  	s7 =	smul.u32 @!p0 $0xF7A, s2;
	p2 =	seq.s32 @!p0 s5, $0x0  }
0x1f: {  	s9 =	smul.u32 $0xF7A, s1;
	s8 =	simm.s32 @!p0 $0x1BF5;
	p2 =	por !p2, p0  }
0x20: {  	[sflag:s8] =	ssyncset.s32 @!p0 $0xFFFFF086;
	s6 =	sadd.s32 @!p0 s3, s7;
	s7 =	simm.s32 @!p0 $0x108  }
0x21: {  	s3 =	sadd.s32 s3, s9;
	s6 =	sadd.s32 @!p0 $0x88, s6;
	s7 =	simm.s32 @p2 $0x1082  }
0x22: {  	[simem:s7], [sflag:s8] =	dma.local @!p0 [hbm:s6], $0xF7A  }
0x23: {  	s9 =	sor.u32 $0xD0000000, s2;
	s6 =	simm.s32 $0x108;
	_ =	swait.ge @!p0 [sflag:s8], $0x0  }
0x24: {  	s3 =	sadd.s32 $0x88, s3;
	s6 =	simm.s32 @!p1 $0x1082;
	[sflag:s4] =	ssyncset.s32 $0xFFFFF086  }
0x25: {  	[simem:s6], [sflag:s4] =	dma.local [hbm:s3], $0xF7A  }
0x26: {  	[smem:$0x3F96] =	sst s1;
	(tag) =	ssettag s2;
	_ =	strace s9  }
0x27: {  	s1 =	sld [smem:$0x3FA6]  }
0x28: {  	s2 =	sld [smem:$0x3FA7]  }
0x29: {  	s4 =	sld [smem:$0x3FA9]  }
0x2a: {  	p0 =	seq.s32 s5, $0x0;
	s5 =	sld [smem:$0x3FAA]  }
0x2b: {  	s6 =	sld [smem:$0x3FAB]  }
0x2c: {  	s7 =	sld [smem:$0x3FAC]  }
0x2d: {  	s3 =	simm.s32 $0x108;
	s8 =	sld [smem:$0x3FAD]  }
0x2e: {  	s3 =	simm.s32 @!p0 $0x1082;
	s9 =	sld [smem:$0x3FAE]  }
0x2f: {  	lr =	sadd.s32 s0, s3;
	s0 =	sld [smem:$0x3FA5]  }
0x30: {  	s3 =	sld [smem:$0x3FA8]  }
0x31: {  	[smem:$0x3FB1] =	sst s10  }
0x32: {  	s10 =	sld [smem:$0x3FAF];
	_ =	sdelay $0x3  }
0x33: {  	p0 =	seq.s32 s10, $0x1;
	s10 =	sld [smem:$0x3FB1];
	_ =	sdelay $0x3  }
0x34: {  	[smem:$0x3FB1] =	sst s10  }
0x35: {  	s10 =	sld [smem:$0x3FB0];
	_ =	sdelay $0x3  }
0x36: {  	p1 =	seq.s32 s10, $0x1;
	s10 =	sld [smem:$0x3FB1];
	_ =	sdelay $0x3  }
0x37: {  	[smem:$0x3FB1] =	sst s10  }
0x38: {  	s10 =	sld [smem:$0x3FB2]  }
0x39: {  	_ = 	snop;
	(pc) =	sbr.ind lr, $3  }
0x3a: {  	_ = 	snop  }
0x3b: {  	_ = 	snop  }
0x3c: {  	p2 =	seq.s32 s10, $0x1;
	s10 =	sld [smem:$0x3FB1]  }
0x3d: {  	_ =	shalt  }
0x3e: {  	_ =	shalt  }
0x3f: {  	_ =	shalt  }
0x40: {  	_ =	shalt  }
0x41: {  	_ =	shalt  }
0x42: {  	_ =	shalt  }
0x43: {  	_ =	shalt  }
0x44: {  	_ =	shalt  }
0x45: {  	_ =	shalt  }
0x46: {  	_ =	shalt  }
0x47: {  	_ =	shalt  }
0x48: {  	_ =	shalt  }
0x49: {  	_ =	shalt  }
0x4a: {  	_ =	shalt  }
0x4b: {  	_ =	shalt  }
0x4c: {  	_ =	shalt  }
0x4d: {  	_ =	shalt  }
0x4e: {  	_ =	shalt  }
0x4f: {  	_ =	shalt  }
0x50: {  	_ =	shalt  }
0x51: {  	_ =	shalt  }
0x52: {  	_ =	shalt  }
0x53: {  	_ =	shalt  }
0x54: {  	_ =	shalt  }
0x55: {  	_ =	shalt  }
0x56: {  	_ =	shalt  }
0x57: {  	_ =	shalt  }
0x58: {  	_ =	shalt  }
0x59: {  	_ =	shalt  }
0x5a: {  	_ =	shalt  }
0x5b: {  	_ =	shalt  }
0x5c: {  	_ =	shalt  }
0x5d: {  	_ =	shalt  }
0x5e: {  	_ =	shalt  }
0x5f: {  	_ =	shalt  }
0x60: {  	_ =	shalt  }
0x61: {  	_ =	shalt  }
0x62: {  	_ =	shalt  }
0x63: {  	_ =	shalt  }
0x64: {  	_ =	shalt  }
0x65: {  	_ =	shalt  }
0x66: {  	_ =	shalt  }
0x67: {  	_ =	shalt  }
0x68: {  	_ =	shalt  }
0x69: {  	_ =	shalt  }
0x6a: {  	_ =	shalt  }
0x6b: {  	_ =	shalt  }
0x6c: {  	_ =	shalt  }
0x6d: {  	_ =	shalt  }
0x6e: {  	_ =	shalt  }
0x6f: {  	_ =	shalt  }
0x70: {  	_ =	shalt  }
0x71: {  	_ =	shalt  }
0x72: {  	_ =	shalt  }
0x73: {  	_ =	shalt  }
0x74: {  	_ =	shalt  }
0x75: {  	_ =	shalt  }
0x76: {  	_ =	shalt  }
0x77: {  	_ =	shalt  }
0x78: {  	_ =	shalt  }
0x79: {  	_ =	shalt  }
0x7a: {  	_ =	shalt  }
0x7b: {  	_ =	shalt  }
0x7c: {  	_ =	shalt  }
0x7d: {  	_ =	shalt  }
0x7e: {  	_ =	shalt  }
0x7f: {  	_ =	shalt  }
0x80: {  	_ =	shalt  }
0x81: {  	_ =	shalt  }
0x82: {  	_ =	shalt  }
0x83: {  	_ =	shalt  }
0x84: {  	_ =	shalt  }
0x85: {  	_ =	shalt  }
0x86: {  	_ =	shalt  }
0x87: {  	_ =	shalt  }
.Lfunc_end0:
.L_simem_size_0:
called_computation_lowered:
.L_overlay_start_0:
0x88: {  	s2 =	sld [smem:$0x3FD9]  }
0x89: {  	s3 =	sld [smem:$0x3FFE];
	_ =	sdelay $0x1  }
0x8a: {  	s1 =	srdreg.scid  }
0x8b: {  	s0 =	sand.u32 $0x1, s1  }
0x8c: {  	s17 =	sshll.u32 s0, $0xA;
	s2 =	sadd.s32 s3, s2  }
0x8d: {  	s2 =	sadd.s32 s2, s17  }
0x8e: {  	[smem:$0x3FBD] =	sst s2  }
0x8f: {  	_ = 	snop  }
0x90: {  	s2 =	sld [smem:$0x3FD0];
	(tm) =	ssettm $0x1  }
0x91: {  	s18 =	sld [smem:$0x3FFB];
	_ =	sdelay $0x3  }
0x92: {  	_ =	strace s18  }
0x93: {  	s3 =	sld [smem:$0x3FFC];
	_ =	sdelay $0x3  }
0x94: {  	_ =	strace s3  }
0x95: {  	s3 =	sld [smem:$0x3FFD];
	_ =	sdelay $0x3  }
0x96: {  	_ =	strace s3  }
0x97: {  	_ =	strace $0x8FFFFFFF  }
0x98: {  	s19 =	sld [smem:$0x3FDB];
	_ =	sdelay $0x1  }
0x99: {  	s4 =	simm.s32 $_scs_section_size  }
0x9a: {  	s5 =	simm.s32 $_size__tile_overlayer_lowered;
	s6 =	simm.s32 $_tile_overlayer_lowered  }
0x9b: {  	s22 =	simm.s32 $0x1BFF;
	s21 =	sshll.u32 s6, $0x1;
	s3 =	sadd.s32 s4, s19  }
0x9c: {  	s7 =	simm.s32 $0x0;
	s20 =	sshll.u32 s5, $0x1;
	s5 =	sadd.s32 s21, s3  }
0x9d: {  	[timem:s7], [sflag:s22] =	dma.local [hbm:s5], s20  }
0x9e: {  	_ =	swait.ge [sflag:s22], s20  }
0x9f: {  	s4 =	ssub.s32 $0x0, s20;
	[sflag:s22] =	ssyncset.done $0x0  }
0xa0: {  	[sflag:s22] =	ssyncadd.s32 s4;
	_ =	sdelay $0x1  }
0xa1: {  	s23 =	simm.s32 $0x1B8B  }
0xa2: {  	_ =	swait.ge [sflag:s23], $0x1  }
0xa3: {  	[sflag:s23] =	ssyncset.done $0x0  }
0xa4: {  	s25 =	simm.s32 $0x1B8E;
	s24 =	sld [smem:$0x3FFE];
	[sflag:s23] =	ssyncadd.s32 $0xFFFFFFFF  }
0xa5: {  	s26 =	simm.s32 $execute0_lowered;
	[smem:$0x3FD2] =	sst s25  }
0xa6: {  	s5 =	sshll.u32 s26, $0x1;
	_ =	strace $0x80000046;
	[dreg:$0x1] =	wrdreg $0xFFFFFFFF  }
0xa7: {  	s28 =	simm.s32 $_size_execute0_lowered;
	s3 =	sadd.s32 s3, s5;
	[dreg:$0x0] =	wrdreg $0x0  }
0xa8: {  	s5 =	sshll.u32 s28, $0x1;
	[dreg:$0x2] =	wrdreg s3  }
0xa9: {  	[dreg:$0x3] =	wrdreg s5  }
0xaa: {  	[dreg:$0x4] =	wrdreg $0xC0  }
0xab: {  	_ =	task [dreg:s7], $0x5FFFF  }
0xac: {  	[dreg:$0x1] =	wrdreg $0xFFFFFFFF  }
0xad: {  	[dreg:$0x0] =	wrdreg $0x60  }
0xae: {  	[dreg:$0x2] =	wrdreg s2  }
0xaf: {  	[dreg:$0x3] =	wrdreg s24  }
0xb0: {  	[dreg:$0x4] =	wrdreg $0x9  }
0xb1: {  	_ =	task.clear_ibuf [dreg:s7], $0x5FFFF;
	_ =	strace $0x90000046  }
0xb2: {  	s29 =	simm.s32 $0x9;
	_ =	strace $0x80000048  }
0xb3: {  	_ =	swait.ge [sflag:s29], $0x1  }
0xb4: {  	[sflag:s29] =	ssyncadd.s32 $0xFFFFFFFF  }
0xb5: {  	_ =	strace $0x90000048  }
0xb6: {  	_ =	sfence  }
0xb7: {  	s30 =	sld [smem:$0x0];
	_ =	sdelay $0x2  }
0xb8: {  	s31 =	sshll.u32 s1, $0xD;
	s1 =	sshrl.u32 s1, $0x2  }
0xb9: {  	s3 =	sand.u32 $0x4000, s31;
	s1 =	sadd.s32 s1, s30  }
0xba: {  	s0 =	sor.u32 s3, s0;
	s1 =	sshll.u32 s1, $0x11  }
0xbb: {  	s0 =	sor.u32 s1, s0  }
0xbc: {  	s0 =	sadd.s32 $0x8F2B, s0  }
0xbd: {  	[sflag:s0] =	ssyncadd.remote.s32 $0x1  }
0xbe: {  	_ =	sfence.sel $0xFFFF  }
0xbf: {  	[dreg:$0x0] =	wrdreg $0xFFFFFFFF;
	(pc) =	sbr.abs _section_cstart, $3  }
0xc0: {  	[dreg:$0x1] =	wrdreg $0xFFFFFFFF  }
0xc1: {  	_ =	task.clear_ibuf [dreg:s7], $0x2FFFF;
	_ =	strace $0x9FFFFFFF  }
0xc2: {  	(tm) =	ssettm $0x7FFFFFFF  }
0xc3: {  	_ =	shalt  }
tec
execute0_lowered:
.L_overlay_start_1:
0x0: {  	(tag) =	ssettag $0x1  }
0x1: {  	s0 =	srdreg.scid  }
0x2: {  	s1 =	rddreg [dreg:$0x0];
	s2 =	stileid.u32  }
0x3: {  	s5 =	rddreg [dreg:$0x1];
	s26 =	simm.s32 $0x80;
	s8 =	simm.s32 $0x3  }
0x4: {  	s9 =	simm.s32 $0x2;
	s12 =	simm.s32 $0x1900;
	s13 =	simm.s32 $0x2100  }
0x5: {  	s14 =	simm.s32 $0x2900;
	s15 =	simm.s32 $0x3100;
	s16 =	simm.s32 $0x3900  }
0x6: {  	s17 =	simm.s32 $0x4100;
	s18 =	simm.s32 $0x4900;
	s19 =	simm.s32 $0x5100  }
0x7: {  	s20 =	simm.s32 $0x5900;
	s21 =	simm.s32 $0x6100;
	s22 =	simm.s32 $0x6900  }
0x8: {  	s28 =	simm.s32 $0x9100;
	s29 =	simm.s32 $0x9900;
	s30 =	simm.s32 $0xA100  }
0x9: {  	s31 =	simm.s32 $0xA900;
	s7 =	simm.s32 $0xB900;
	s0 =	sand.u32 $0x1, s0  }
0xa: {  	s3 =	sshll.u32 s2, $0x4;
	s2 =	simm.s32 $0x0;
	s4 =	sshll.u32 s0, $0x3  }
0xb: {  	[smem:$0x7FF] =	sst s2;
	s0 =	ssub.s32 $0x2, s0;
	s3 =	sor.u32 s4, s3  }
0xc: {  	_ =	strace $0x80000047;
	s23 =	sshrl.u32 s0, $0x1;
	[dreg:$0x6] =	wrdreg s26  }
0xd: {  	s26 =	simm.s32 $0x8900;
	s4 =	smul.u32 $0x300, s3;
	s6 =	sadd.s32 s3, s5  }
0xe: {  	s3 =	sadd.s32 $0x3000, s5;
	s0 =	ssub.s32 s0, s23;
	s24 =	sadd.s32 $0x2E00, s6  }
0xf: {  	s23 =	simm.s32 $0x7100;
	s25 =	sadd.s32 $0x2C00, s6;
	[dreg:$0x4] =	wrdreg s24  }
0x10: {  	v2 =	vlaneseq.u32;
	s6 =	smax.u32 s0, $0x1;
	s1 =	sadd.s32 s1, s4;
	[dreg:$0x5] =	wrdreg s25  }
0x11: {  	vm0 =	vmmov $0xffff;
	v1 =	vshrl.u32 v2, $0x3;
	s4 =	sadd.s32 $0x3100, s5;
	s5 =	sadd.s32 $0x3200, s5;
	s24 =	simm.s32 $0x7900  }
0x12: {  	v0 =	vand.u32 $0x7, v2;
	v2 =	vor.u32 $0x8, v2;
	v1 =	vmul.u32 $0x8, v1;
	s25 =	simm.s32 $0x8100;
	[dreg:$0x3] =	wrdreg s1;
	s1 =	simm.s32 $0xB100  }
.LBB2_1:
0x13: {  	s10 =	rddreg [dreg:$0x3];
	s0 =	simm.s32 $0x100  }
0x14: {  	[tilespmem:s0], [sflag:$0x3] =	stream.linear.gather [hbm4b:s10+s2], $0xC000, $0x38;
	[tilespmem:$0xC100] =	vst v63  }
0x15: {  	_ =	swait.ge [sflag:s8], $0xC000  }
0x16: {  	[sflag:s8] =	ssyncset.done $0x0  }
0x17: {  	s11 =	rddreg [dreg:$0x4];
	[sflag:s8] =	ssyncadd.s32 $0xFFFF4000  }
0x18: {  	[tilespmem:s2], [sflag:$0x3] =	stream.linear.gather [hbm4b:s11+s2], $0x40, $0x38;
	[tilespmem:$0xC100] =	vst v63  }
0x19: {  	_ =	swait.ge [sflag:s8], $0x40  }
0x1a: {  	s10 =	rddreg [dreg:$0x5];
	[sflag:s8] =	ssyncset.done $0x0  }
0x1b: {  	s11 =	rddreg [dreg:$0x6];
	[sflag:s8] =	ssyncadd.s32 $0xFFFFFFC0  }
0x1c: {  	[tilespmem:s11], [sflag:$0x3] =	stream.linear.gather [hbm4b:s10+s2], $0x40, $0x38;
	[tilespmem:$0xC100] =	vst v63  }
0x1d: {  	_ =	swait.ge [sflag:s8], $0x40  }
0x1e: {  	[sflag:s8] =	ssyncset.done $0x0  }
0x1f: {  	[sflag:s8] =	ssyncadd.s32 $0xFFFFFFC0  }
0x20: {  	v3 =	vld [tilespmem:$0x0];
	_ =	sdelay $0x4  }
0x21: {  	v4 =	vshrl.u32 v3, $0x3  }
0x22: {  	v4 =	vmul.u32 $0x30, v4  }
0x23: {  	v3 =	vand.u32 $0x7, v3  }
0x24: {  	v3 =	vor.u32 v3, v4  }
0x25: {  	v4 =	vperm.xlane v3, v0;
	_ =	sdelay $0x1  }
0x26: {  	v4 =	vadd.s32 v1, v4;
	_ =	sdelay $0x3  }
0x27: {  	v3 =	vperm.xlane v3, v2  }
0x28: {  	[hbm4b:s3+s2] =	stream.indirect_vreg.scatter [tilespmem:s0], [sflag:$0x1], $0x80, v4, vm0, $0xb8;
	[tilespmem:$0xC100] =	vst v63  }
0x29: {  	s10 =	simm.s32 $0x900;
	v3 =	vadd.s32 v1, v3  }
0x2a: {  	[hbm4b:s4+s2] =	stream.indirect_vreg.scatter [tilespmem:s10], [sflag:$0x1], $0x80, v4, vm0, $0xb8;
	[tilespmem:$0xC100] =	vst v63  }
0x2b: {  	s11 =	simm.s32 $0x1100  }
0x2c: {  	[hbm4b:s5+s2] =	stream.indirect_vreg.scatter [tilespmem:s11], [sflag:$0x1], $0x80, v4, vm0, $0xb8;
	[tilespmem:$0xC100] =	vst v63  }
0x2d: {  	_ = 	snop  }
0x2e: {  	[hbm4b:s3+s2] =	stream.indirect_vreg.scatter [tilespmem:s12], [sflag:$0x1], $0x80, v3, vm0, $0xb8;
	[tilespmem:$0xC100] =	vst v63  }
0x2f: {  	_ = 	snop  }
0x30: {  	[hbm4b:s4+s2] =	stream.indirect_vreg.scatter [tilespmem:s13], [sflag:$0x1], $0x80, v3, vm0, $0xb8;
	[tilespmem:$0xC100] =	vst v63  }
0x31: {  	_ = 	snop  }
0x32: {  	[hbm4b:s5+s2] =	stream.indirect_vreg.scatter [tilespmem:s14], [sflag:$0x1], $0x80, v3, vm0, $0xb8;
	[tilespmem:$0xC100] =	vst v63  }
0x33: {  	v3 =	vld [tilespmem:$0x10];
	_ =	sdelay $0x4  }
0x34: {  	v57 =	vshrl.u32 v3, $0x3  }
0x35: {  	v4 =	vmul.u32 $0x30, v57  }
0x36: {  	v3 =	vand.u32 $0x7, v3  }
0x37: {  	v3 =	vor.u32 v3, v4  }
0x38: {  	v4 =	vperm.xlane v3, v0;
	_ =	sdelay $0x1  }
0x39: {  	v4 =	vadd.s32 v1, v4;
	_ =	sdelay $0x3  }
0x3a: {  	v3 =	vperm.xlane v3, v2  }
0x3b: {  	[hbm4b:s3+s2] =	stream.indirect_vreg.scatter [tilespmem:s15], [sflag:$0x1], $0x80, v4, vm0, $0xb8;
	[tilespmem:$0xC100] =	vst v63  }
0x3c: {  	v3 =	vadd.s32 v1, v3  }
0x3d: {  	[hbm4b:s4+s2] =	stream.indirect_vreg.scatter [tilespmem:s16], [sflag:$0x1], $0x80, v4, vm0, $0xb8;
	[tilespmem:$0xC100] =	vst v63  }
0x3e: {  	_ = 	snop  }
0x3f: {  	[hbm4b:s5+s2] =	stream.indirect_vreg.scatter [tilespmem:s17], [sflag:$0x1], $0x80, v4, vm0, $0xb8;
	[tilespmem:$0xC100] =	vst v63  }
0x40: {  	_ = 	snop  }
0x41: {  	[hbm4b:s3+s2] =	stream.indirect_vreg.scatter [tilespmem:s18], [sflag:$0x1], $0x80, v3, vm0, $0xb8;
	[tilespmem:$0xC100] =	vst v63  }
0x42: {  	_ = 	snop  }
0x43: {  	[hbm4b:s4+s2] =	stream.indirect_vreg.scatter [tilespmem:s19], [sflag:$0x1], $0x80, v3, vm0, $0xb8;
	[tilespmem:$0xC100] =	vst v63  }
0x44: {  	_ = 	snop  }
0x45: {  	[hbm4b:s5+s2] =	stream.indirect_vreg.scatter [tilespmem:s20], [sflag:$0x1], $0x80, v3, vm0, $0xb8;
	[tilespmem:$0xC100] =	vst v63  }
0x46: {  	v3 =	vld [tilespmem:$0x20];
	_ =	sdelay $0x4  }
0x47: {  	v58 =	vshrl.u32 v3, $0x3  }
0x48: {  	v4 =	vmul.u32 $0x30, v58  }
0x49: {  	v3 =	vand.u32 $0x7, v3  }
0x4a: {  	v3 =	vor.u32 v3, v4  }
0x4b: {  	v4 =	vperm.xlane v3, v0;
	_ =	sdelay $0x1  }
0x4c: {  	v4 =	vadd.s32 v1, v4;
	_ =	sdelay $0x3  }
0x4d: {  	v3 =	vperm.xlane v3, v2  }
0x4e: {  	[hbm4b:s3+s2] =	stream.indirect_vreg.scatter [tilespmem:s21], [sflag:$0x1], $0x80, v4, vm0, $0xb8;
	[tilespmem:$0xC100] =	vst v63  }
0x4f: {  	v3 =	vadd.s32 v1, v3  }
0x50: {  	[hbm4b:s4+s2] =	stream.indirect_vreg.scatter [tilespmem:s22], [sflag:$0x1], $0x80, v4, vm0, $0xb8;
	[tilespmem:$0xC100] =	vst v63  }
0x51: {  	_ = 	snop  }
0x52: {  	[hbm4b:s5+s2] =	stream.indirect_vreg.scatter [tilespmem:s23], [sflag:$0x1], $0x80, v4, vm0, $0xb8;
	[tilespmem:$0xC100] =	vst v63  }
0x53: {  	_ = 	snop  }
0x54: {  	[hbm4b:s3+s2] =	stream.indirect_vreg.scatter [tilespmem:s24], [sflag:$0x1], $0x80, v3, vm0, $0xb8;
	[tilespmem:$0xC100] =	vst v63  }
0x55: {  	_ = 	snop  }
0x56: {  	[hbm4b:s4+s2] =	stream.indirect_vreg.scatter [tilespmem:s25], [sflag:$0x1], $0x80, v3, vm0, $0xb8;
	[tilespmem:$0xC100] =	vst v63  }
0x57: {  	_ = 	snop  }
0x58: {  	[hbm4b:s5+s2] =	stream.indirect_vreg.scatter [tilespmem:s26], [sflag:$0x1], $0x80, v3, vm0, $0xb8;
	[tilespmem:$0xC100] =	vst v63  }
0x59: {  	v3 =	vld [tilespmem:$0x30];
	_ =	sdelay $0x4  }
0x5a: {  	v59 =	vshrl.u32 v3, $0x3  }
0x5b: {  	v4 =	vmul.u32 $0x30, v59  }
0x5c: {  	v3 =	vand.u32 $0x7, v3  }
0x5d: {  	v3 =	vor.u32 v3, v4  }
0x5e: {  	v4 =	vperm.xlane v3, v0;
	_ =	sdelay $0x1  }
0x5f: {  	v4 =	vadd.s32 v1, v4;
	_ =	sdelay $0x3  }
0x60: {  	v3 =	vperm.xlane v3, v2  }
0x61: {  	[hbm4b:s3+s2] =	stream.indirect_vreg.scatter [tilespmem:s28], [sflag:$0x1], $0x80, v4, vm0, $0xb8;
	[tilespmem:$0xC100] =	vst v63  }
0x62: {  	v3 =	vadd.s32 v1, v3  }
0x63: {  	[hbm4b:s4+s2] =	stream.indirect_vreg.scatter [tilespmem:s29], [sflag:$0x1], $0x80, v4, vm0, $0xb8;
	[tilespmem:$0xC100] =	vst v63  }
0x64: {  	_ = 	snop  }
0x65: {  	[hbm4b:s5+s2] =	stream.indirect_vreg.scatter [tilespmem:s30], [sflag:$0x1], $0x80, v4, vm0, $0xb8;
	[tilespmem:$0xC100] =	vst v63  }
0x66: {  	_ = 	snop  }
0x67: {  	[hbm4b:s3+s2] =	stream.indirect_vreg.scatter [tilespmem:s31], [sflag:$0x1], $0x80, v3, vm0, $0xb8;
	[tilespmem:$0xC100] =	vst v63  }
0x68: {  	_ = 	snop  }
0x69: {  	[hbm4b:s4+s2] =	stream.indirect_vreg.scatter [tilespmem:s1], [sflag:$0x1], $0x80, v3, vm0, $0xb8;
	[tilespmem:$0xC100] =	vst v63  }
0x6a: {  	_ = 	snop  }
0x6b: {  	[hbm4b:s5+s2] =	stream.indirect_vreg.scatter [tilespmem:s7], [sflag:$0x1], $0x80, v3, vm0, $0xb8;
	[tilespmem:$0xC100] =	vst v63  }
0x6c: {  	v3 =	vld [tilespmem:$0x80];
	_ =	sdelay $0x4  }
0x6d: {  	v60 =	vshrl.u32 v3, $0x3  }
0x6e: {  	v4 =	vmul.u32 $0x30, v60  }
0x6f: {  	v3 =	vand.u32 $0x7, v3  }
0x70: {  	v3 =	vor.u32 v3, v4  }
0x71: {  	v4 =	vperm.xlane v3, v0;
	_ =	sdelay $0x1  }
0x72: {  	v4 =	vadd.s32 v1, v4;
	_ =	sdelay $0x3  }
0x73: {  	v3 =	vperm.xlane v3, v2  }
0x74: {  	[hbm4b:s3+s2] =	stream.indirect_vreg.scatter [tilespmem:s0], [sflag:$0x2], $0x80, v4, vm0, $0xb8;
	[tilespmem:$0xC100] =	vst v63  }
0x75: {  	v3 =	vadd.s32 v1, v3  }
0x76: {  	[hbm4b:s4+s2] =	stream.indirect_vreg.scatter [tilespmem:s10], [sflag:$0x2], $0x80, v4, vm0, $0xb8;
	[tilespmem:$0xC100] =	vst v63  }
0x77: {  	_ = 	snop  }
0x78: {  	[hbm4b:s5+s2] =	stream.indirect_vreg.scatter [tilespmem:s11], [sflag:$0x2], $0x80, v4, vm0, $0xb8;
	[tilespmem:$0xC100] =	vst v63  }
0x79: {  	_ = 	snop  }
0x7a: {  	[hbm4b:s3+s2] =	stream.indirect_vreg.scatter [tilespmem:s12], [sflag:$0x2], $0x80, v3, vm0, $0xb8;
	[tilespmem:$0xC100] =	vst v63  }
0x7b: {  	_ = 	snop  }
0x7c: {  	[hbm4b:s4+s2] =	stream.indirect_vreg.scatter [tilespmem:s13], [sflag:$0x2], $0x80, v3, vm0, $0xb8;
	[tilespmem:$0xC100] =	vst v63  }
0x7d: {  	_ = 	snop  }
0x7e: {  	[hbm4b:s5+s2] =	stream.indirect_vreg.scatter [tilespmem:s14], [sflag:$0x2], $0x80, v3, vm0, $0xb8;
	[tilespmem:$0xC100] =	vst v63  }
0x7f: {  	v3 =	vld [tilespmem:$0x90];
	_ =	sdelay $0x4  }
0x80: {  	v61 =	vshrl.u32 v3, $0x3  }
0x81: {  	v4 =	vmul.u32 $0x30, v61  }
0x82: {  	v3 =	vand.u32 $0x7, v3  }
0x83: {  	v3 =	vor.u32 v3, v4  }
0x84: {  	v4 =	vperm.xlane v3, v0;
	_ =	sdelay $0x1  }
0x85: {  	v4 =	vadd.s32 v1, v4;
	_ =	sdelay $0x3  }
0x86: {  	v3 =	vperm.xlane v3, v2  }
0x87: {  	[hbm4b:s3+s2] =	stream.indirect_vreg.scatter [tilespmem:s15], [sflag:$0x2], $0x80, v4, vm0, $0xb8;
	[tilespmem:$0xC100] =	vst v63  }
0x88: {  	v3 =	vadd.s32 v1, v3  }
0x89: {  	[hbm4b:s4+s2] =	stream.indirect_vreg.scatter [tilespmem:s16], [sflag:$0x2], $0x80, v4, vm0, $0xb8;
	[tilespmem:$0xC100] =	vst v63  }
0x8a: {  	_ = 	snop  }
0x8b: {  	[hbm4b:s5+s2] =	stream.indirect_vreg.scatter [tilespmem:s17], [sflag:$0x2], $0x80, v4, vm0, $0xb8;
	[tilespmem:$0xC100] =	vst v63  }
0x8c: {  	_ = 	snop  }
0x8d: {  	[hbm4b:s3+s2] =	stream.indirect_vreg.scatter [tilespmem:s18], [sflag:$0x2], $0x80, v3, vm0, $0xb8;
	[tilespmem:$0xC100] =	vst v63  }
0x8e: {  	_ = 	snop  }
0x8f: {  	[hbm4b:s4+s2] =	stream.indirect_vreg.scatter [tilespmem:s19], [sflag:$0x2], $0x80, v3, vm0, $0xb8;
	[tilespmem:$0xC100] =	vst v63  }
0x90: {  	_ = 	snop  }
0x91: {  	[hbm4b:s5+s2] =	stream.indirect_vreg.scatter [tilespmem:s20], [sflag:$0x2], $0x80, v3, vm0, $0xb8;
	[tilespmem:$0xC100] =	vst v63  }
0x92: {  	v3 =	vld [tilespmem:$0xA0];
	_ =	sdelay $0x4  }
0x93: {  	v62 =	vshrl.u32 v3, $0x3  }
0x94: {  	v4 =	vmul.u32 $0x30, v62  }
0x95: {  	v3 =	vand.u32 $0x7, v3  }
0x96: {  	v3 =	vor.u32 v3, v4  }
0x97: {  	v4 =	vperm.xlane v3, v0;
	_ =	sdelay $0x1  }
0x98: {  	v4 =	vadd.s32 v1, v4;
	_ =	sdelay $0x3  }
0x99: {  	v3 =	vperm.xlane v3, v2  }
0x9a: {  	[hbm4b:s3+s2] =	stream.indirect_vreg.scatter [tilespmem:s21], [sflag:$0x2], $0x80, v4, vm0, $0xb8;
	[tilespmem:$0xC100] =	vst v63  }
0x9b: {  	v3 =	vadd.s32 v1, v3  }
0x9c: {  	[hbm4b:s4+s2] =	stream.indirect_vreg.scatter [tilespmem:s22], [sflag:$0x2], $0x80, v4, vm0, $0xb8;
	[tilespmem:$0xC100] =	vst v63  }
0x9d: {  	_ = 	snop  }
0x9e: {  	[hbm4b:s5+s2] =	stream.indirect_vreg.scatter [tilespmem:s23], [sflag:$0x2], $0x80, v4, vm0, $0xb8;
	[tilespmem:$0xC100] =	vst v63  }
0x9f: {  	_ = 	snop  }
0xa0: {  	[hbm4b:s3+s2] =	stream.indirect_vreg.scatter [tilespmem:s24], [sflag:$0x2], $0x80, v3, vm0, $0xb8;
	[tilespmem:$0xC100] =	vst v63  }
0xa1: {  	_ = 	snop  }
0xa2: {  	[hbm4b:s4+s2] =	stream.indirect_vreg.scatter [tilespmem:s25], [sflag:$0x2], $0x80, v3, vm0, $0xb8;
	[tilespmem:$0xC100] =	vst v63  }
0xa3: {  	_ = 	snop  }
0xa4: {  	[hbm4b:s5+s2] =	stream.indirect_vreg.scatter [tilespmem:s26], [sflag:$0x2], $0x80, v3, vm0, $0xb8;
	[tilespmem:$0xC100] =	vst v63  }
0xa5: {  	v3 =	vld [tilespmem:$0xB0];
	_ =	sdelay $0x4  }
0xa6: {  	v63 =	vshrl.u32 v3, $0x3  }
0xa7: {  	v4 =	vmul.u32 $0x30, v63  }
0xa8: {  	v3 =	vand.u32 $0x7, v3  }
0xa9: {  	v3 =	vor.u32 v3, v4  }
0xaa: {  	v4 =	vperm.xlane v3, v0;
	_ =	sdelay $0x1  }
0xab: {  	v4 =	vadd.s32 v1, v4;
	_ =	sdelay $0x3  }
0xac: {  	v3 =	vperm.xlane v3, v2  }
0xad: {  	[hbm4b:s3+s2] =	stream.indirect_vreg.scatter [tilespmem:s28], [sflag:$0x2], $0x80, v4, vm0, $0xb8;
	[tilespmem:$0xC100] =	vst v63  }
0xae: {  	v3 =	vadd.s32 v1, v3  }
0xaf: {  	[hbm4b:s4+s2] =	stream.indirect_vreg.scatter [tilespmem:s29], [sflag:$0x2], $0x80, v4, vm0, $0xb8;
	[tilespmem:$0xC100] =	vst v63  }
0xb0: {  	_ = 	snop  }
0xb1: {  	[hbm4b:s5+s2] =	stream.indirect_vreg.scatter [tilespmem:s30], [sflag:$0x2], $0x80, v4, vm0, $0xb8;
	[tilespmem:$0xC100] =	vst v63  }
0xb2: {  	_ = 	snop  }
0xb3: {  	[hbm4b:s3+s2] =	stream.indirect_vreg.scatter [tilespmem:s31], [sflag:$0x2], $0x80, v3, vm0, $0xb8;
	[tilespmem:$0xC100] =	vst v63  }
0xb4: {  	_ = 	snop  }
0xb5: {  	[hbm4b:s4+s2] =	stream.indirect_vreg.scatter [tilespmem:s1], [sflag:$0x2], $0x80, v3, vm0, $0xb8;
	[tilespmem:$0xC100] =	vst v63  }
0xb6: {  	s11 =	simm.s32 $0x1  }
0xb7: {  	[hbm4b:s5+s2] =	stream.indirect_vreg.scatter [tilespmem:s7], [sflag:$0x2], $0x80, v3, vm0, $0xb8;
	[tilespmem:$0xC100] =	vst v63  }
0xb8: {  	p0 =	sne.s32 s6, $0x1;
	_ =	swait.ge [sflag:s11], $0xC000  }
.Ltmp0:
0xb9: {  	[sflag:s11] =	ssyncset.done $0x0;
	(pc) =	sbr.rel @p0 .LBB2_1-.Ltmp0, $4  }
0xba: {  	[sflag:s11] =	ssyncadd.s32 $0xFFFF4000  }
0xbb: {  	_ =	swait.ge [sflag:s9], $0xC000  }
0xbc: {  	[sflag:s9] =	ssyncset.done $0x0  }
0xbd: {  	s6 =	sadd.s32 $0xFFFFFFFF, s6;
	[sflag:s9] =	ssyncadd.s32 $0xFFFF4000  }
0xbe: {  	_ =	sfence.sel $0x180000  }
0xbf: {  	[bflag:$0x0] =	sbarrier.arrive $0xFFFF  }
0xc0: {  	_ =	strace $0x90000047  }
0xc1: {  	s0 =	stileid.u32;
	[bflag:$0x2] =	sbarrier.arrive $0xFFFF  }
0xc2: {  	p0 =	sne.s32 s0, $0x0;
	s0 =	rddreg [dreg:$0x2]  }
0xc3: {  	s0 =	sadd.s32 @!p0 $0x100000, s0  }
0xc4: {  	[sflag:s0] =	ssyncadd.tile.s32 @!p0 $0x1;
	_ =	shalt  }
.Lfunc_end2:
_tile_overlayer_lowered:
.L_overlay_start_2:
0xc5: {  	(tag) =	ssettag $0x2  }
0xc6: {  	s0 =	rddreg [dreg:$0x0];
	s2 =	stileid.u32  }
0xc7: {  	s1 =	rddreg [dreg:$0x1];
	p0 =	sne.s32 s2, $0x0  }
0xc8: {  	s3 =	rddreg [dreg:$0x2];
	[bflag:$0x3] =	sbarrier.arrive $0xFFFF;
	s2 =	simm.s32 @!p0 $0x1C03  }
0xc9: {  	[timem:s3], [sflag:s2] =	dma.local @!p0 [hbm:s0], s1  }
0xca: {  	s0 =	simm.s32 @!p0 $0x3  }
0xcb: {  	_ =	swait.ge @!p0 [sflag:s0], s1  }
0xcc: {  	s1 =	ssub.s32 @!p0 $0x0, s1;
	[sflag:s0] =	ssyncset.done @!p0 $0x0  }
0xcd: {  	[sflag:s0] =	ssyncadd.s32 @!p0 s1  }
0xce: {  	[bflag:$0x3] =	sbarrier.arrive $0xFFFF  }
0xcf: {  	_ =	shalt  }

</sc_bundles>
